<compile_context>
chip_gen: v7x
topology: tpu7x:2x2x1
jax: 0.10.2.dev20260603
libtpu: 0.0.44.dev20260713+nightly
codegen_flags: <defaults>
</compile_context>

<pallas_src>
import functools

import jax
import jax.numpy as jnp
from jax import lax
from jax.experimental import pallas as pl
from jax.experimental.pallas import tpu as pltpu
from jax.experimental.pallas import tpu_sc as plsc

NC, NS = 2, 16
NW = NC * NS
CHUNK = 128
NBUF = 2


def _make_gather_plane(B, D):
    assert B % (NW * CHUNK) == 0
    bpw = B // NW
    nchunks = bpw // CHUNK

    mesh = plsc.VectorSubcoreMesh(
        core_axis_name="c", subcore_axis_name="s",
        num_cores=NC, num_subcores=NS)

    @functools.partial(
        pl.kernel,
        out_type=jax.ShapeDtypeStruct((B, D), jnp.float32),
        mesh=mesh,
        scratch_types=[
            pltpu.VMEM((bpw,), jnp.int32),
            pltpu.VMEM((NBUF, CHUNK, D), jnp.float32),
        ] + [pltpu.SemaphoreType.DMA] * (2 * NBUF),
    )
    def k(idx_hbm, w_hbm, out_hbm, idx_v, rows_v, *sems):
        gsem = sems[0:NBUF]
        ssem = sems[NBUF:2 * NBUF]
        wid = lax.axis_index("s") * NC + lax.axis_index("c")
        base = wid * bpw
        pltpu.sync_copy(idx_hbm.at[pl.ds(base, bpw)], idx_v)

        def gather_start(c, b):
            pltpu.async_copy(
                w_hbm.at[idx_v.at[pl.ds(c * CHUNK, CHUNK)]],
                rows_v.at[b], gsem[b])

        def gather_wait(b):
            pltpu.make_async_copy(
                w_hbm.at[idx_v.at[pl.ds(0, CHUNK)]],
                rows_v.at[b], gsem[b]).wait()

        def scatter_start(c, b):
            pltpu.async_copy(
                rows_v.at[b],
                out_hbm.at[pl.ds(base + c * CHUNK, CHUNK)], ssem[b])

        def scatter_wait(c, b):
            pltpu.make_async_copy(
                rows_v.at[b],
                out_hbm.at[pl.ds(base + c * CHUNK, CHUNK)], ssem[b]).wait()

        for b in range(NBUF):
            gather_start(b, b)

        def body(j, carry):
            for b in range(NBUF):
                c = j * NBUF + b
                gather_wait(b)
                scatter_start(c, b)
                scatter_wait(c, b)
                gather_start(c + NBUF, b)
            return carry

        lax.fori_loop(0, (nchunks - NBUF) // NBUF, body, 0)

        for b in range(NBUF):
            c = nchunks - NBUF + b
            gather_wait(b)
            scatter_start(c, b)
        for b in range(NBUF):
            c = nchunks - NBUF + b
            scatter_wait(c, b)

    return k


def kernel(x, weight):
    B, L = x.shape
    V, D = weight.shape
    idx = x.T.reshape(-1).astype(jnp.int32)
    gather = _make_gather_plane(B * L, D)
    outr = gather(idx, jnp.real(weight))
    outi = gather(idx, jnp.imag(weight))
    out = lax.complex(outr.reshape(L, B, D), outi.reshape(L, B, D))
    return jnp.transpose(out, (1, 0, 2))

# --- scband reference (transcript-rebuilt; emitter-appended) ---
"""Pipeline reference for scband-complex-embedding-876173328859 (READ-ONLY COPY).

The authoritative reference and input builder live on the scoring server;
editing this copy changes nothing except your own understanding.
"""

import jax, jax.numpy as jnp
import numpy as np

NUM_EMBEDDINGS = 100000
D_MODEL = 128

def setup_inputs(seed: int = 0) -> dict:
    key = jax.random.key(seed)
    k1, k2, k3 = jax.random.split(key, 3)
    x = jax.random.randint(k1, (4096, 50), 0, NUM_EMBEDDINGS, dtype=jnp.int64) if jax.config.jax_enable_x64 else jax.random.randint(k1, (4096, 50), 0, NUM_EMBEDDINGS, dtype=jnp.int32)
    w_real = jax.random.normal(k2, (NUM_EMBEDDINGS, D_MODEL), dtype=jnp.float32) * 0.02
    w_imag = jax.random.normal(k3, (NUM_EMBEDDINGS, D_MODEL), dtype=jnp.float32) * 0.02
    weight = jax.lax.complex(w_real, w_imag)  # complex64 [vocab, d_model]
    return {"x": x, "weight": weight}

def reference(x, weight):
    # Faithful translation of ComplexEmbedding.forward: self.weight[x]
    # gather rows of the complex embedding table
    return jnp.take(weight, x, axis=0)  # complex64 [B, L, d_model]

if __name__ == "__main__":
    import jax
    _d = setup_inputs()
    print(jax.jit(kernel)(*tuple(_d.values())))

</pallas_src>

<mosaic_0001>
#map = affine_map<(d0, d1) -> (0)>
#map1 = affine_map<(d0, d1) -> (0, 0)>
module attributes {stable_mosaic.version = 14 : i64} {
  func.func @k(%arg0: i32, %arg1: i32, %arg2: memref<204800xi32, #tpu.memory_space<hbm>>, %arg3: memref<100000x128xf32, #tpu.memory_space<hbm>>, %arg4: memref<204800x128xf32, #tpu.memory_space<hbm>>, %arg5: memref<6400xi32, #tpu.memory_space<vmem>>, %arg6: memref<2x128x128xf32, #tpu.memory_space<vmem>>, %arg7: memref<!tpu.dma_semaphore, #tpu.memory_space<semaphore_mem>>, %arg8: memref<!tpu.dma_semaphore, #tpu.memory_space<semaphore_mem>>, %arg9: memref<!tpu.dma_semaphore, #tpu.memory_space<semaphore_mem>>, %arg10: memref<!tpu.dma_semaphore, #tpu.memory_space<semaphore_mem>>) attributes {dimension_semantics = [#tpu.dimension_semantics<core_parallel>, #tpu.dimension_semantics<subcore_parallel>], iteration_bounds = array<i64: 2, 16>, scalar_prefetch = 0 : i64, scratch_operands = 6 : i64, tpu.core_type = #tpu.core_type<sc_vector_subcore>, window_params = [{transform_indices = #map}, {transform_indices = #map1}, {transform_indices = #map1}]} {
    %mul3A = arith.constant 2 : i32
    %mul3A_0 = arith.muli %arg1, %mul3A : i32
    %add3A = arith.addi %mul3A_0, %arg0 : i32
    %mul3A_1 = arith.constant 6400 : i32
    %mul3A_2 = arith.muli %add3A, %mul3A_1 : i32
    "tpu.region"() ({
      %run_scoped3A = tpu.sem_alloc : memref<!tpu.dma_semaphore, #tpu.memory_space<semaphore_mem>>
      %dma_start3A_106 = tpu.memref_slice %arg2[%mul3A_2] : memref<204800xi32, #tpu.memory_space<hbm>> -> memref<6400xi32, #tpu.memory_space<hbm>>
      %dma_start3A_107 = tpu.memref_slice %arg2[%mul3A_2] : memref<204800xi32, #tpu.memory_space<hbm>> -> memref<6400xi32, #tpu.memory_space<hbm>>
      tpu.enqueue_dma source(%dma_start3A_107 : memref<6400xi32, #tpu.memory_space<hbm>>) target(%arg5 : memref<6400xi32, #tpu.memory_space<vmem>>) target_semaphore(%run_scoped3A : memref<!tpu.dma_semaphore, #tpu.memory_space<semaphore_mem>>)
      %dma_wait3A_108 = tpu.memref_slice %arg2[%mul3A_2] : memref<204800xi32, #tpu.memory_space<hbm>> -> memref<6400xi32, #tpu.memory_space<hbm>>
      %dma_wait3A_109 = tpu.memref_slice %arg2[%mul3A_2] : memref<204800xi32, #tpu.memory_space<hbm>> -> memref<6400xi32, #tpu.memory_space<hbm>>
      tpu.wait_dma2 semaphore(%run_scoped3A : memref<!tpu.dma_semaphore, #tpu.memory_space<semaphore_mem>>) src(%dma_wait3A_109 : memref<6400xi32, #tpu.memory_space<hbm>>) dst(%arg5 : memref<6400xi32, #tpu.memory_space<vmem>>)
      tpu.yield
    }) : () -> ()
    %dma_start3A = arith.constant 0 : i32
    %dma_start3A_3 = arith.constant 0 : i32
    %dma_start3A_4 = arith.constant 0 : i32
    %dma_start3A_5 = tpu.memref_slice %arg6[%dma_start3A, %dma_start3A_3, %dma_start3A_4] : memref<2x128x128xf32, #tpu.memory_space<vmem>> -> memref<1x128x128xf32, #tpu.memory_space<vmem>>
    %dma_start3A_6 = tpu.memref_squeeze %dma_start3A_5 : memref<1x128x128xf32, #tpu.memory_space<vmem>> -> memref<128x128xf32, #tpu.memory_space<vmem>>
    %dma_start3A_7 = arith.constant 0 : i32
    %dma_start3A_8 = tpu.memref_slice %arg5[%dma_start3A_7] : memref<6400xi32, #tpu.memory_space<vmem>> -> memref<128xi32, #tpu.memory_space<vmem>>
    %dma_start3A_9 = arith.constant 0 : i32
    %dma_start3A_10 = arith.constant 0 : i32
    %dma_start3A_11 = tpu.memref_slice %arg3[%dma_start3A_9, %dma_start3A_10] : memref<100000x128xf32, #tpu.memory_space<hbm>> -> memref<100000x128xf32, #tpu.memory_space<hbm>>
    tpu.enqueue_indirect_dma source(%dma_start3A_11 : memref<100000x128xf32, #tpu.memory_space<hbm>>) target(%dma_start3A_6 : memref<128x128xf32, #tpu.memory_space<vmem>>) offsets(%dma_start3A_8 : memref<128xi32, #tpu.memory_space<vmem>>) semaphore(%arg7 : memref<!tpu.dma_semaphore, #tpu.memory_space<semaphore_mem>>)
    %dma_start3A_12 = arith.constant 1 : i32
    %dma_start3A_13 = arith.constant 0 : i32
    %dma_start3A_14 = arith.constant 0 : i32
    %dma_start3A_15 = tpu.memref_slice %arg6[%dma_start3A_12, %dma_start3A_13, %dma_start3A_14] : memref<2x128x128xf32, #tpu.memory_space<vmem>> -> memref<1x128x128xf32, #tpu.memory_space<vmem>>
    %dma_start3A_16 = tpu.memref_squeeze %dma_start3A_15 : memref<1x128x128xf32, #tpu.memory_space<vmem>> -> memref<128x128xf32, #tpu.memory_space<vmem>>
    %dma_start3A_17 = arith.constant 128 : i32
    %dma_start3A_18 = tpu.memref_slice %arg5[%dma_start3A_17] : memref<6400xi32, #tpu.memory_space<vmem>> -> memref<128xi32, #tpu.memory_space<vmem>>
    %dma_start3A_19 = arith.constant 0 : i32
    %dma_start3A_20 = arith.constant 0 : i32
    %dma_start3A_21 = tpu.memref_slice %arg3[%dma_start3A_19, %dma_start3A_20] : memref<100000x128xf32, #tpu.memory_space<hbm>> -> memref<100000x128xf32, #tpu.memory_space<hbm>>
    tpu.enqueue_indirect_dma source(%dma_start3A_21 : memref<100000x128xf32, #tpu.memory_space<hbm>>) target(%dma_start3A_16 : memref<128x128xf32, #tpu.memory_space<vmem>>) offsets(%dma_start3A_18 : memref<128xi32, #tpu.memory_space<vmem>>) semaphore(%arg8 : memref<!tpu.dma_semaphore, #tpu.memory_space<semaphore_mem>>)
    %scan3A = arith.constant 0 : i32
    %scan3A_22 = arith.constant 0 : i32
    %scan3A_23 = arith.constant 24 : i32
    %scan3A_24 = arith.addi %scan3A_22, %scan3A_23 : i32
    %scan3A_25 = arith.constant 1 : i32
    scf.for %scan3A_106 = %scan3A_22 to %scan3A_24 step %scan3A_25  : i32 {
      %mul3A_107 = arith.constant 2 : i32
      %mul3A_108 = arith.muli %scan3A_106, %mul3A_107 : i32
      %add3A_109 = arith.constant 0 : i32
      %add3A_110 = arith.addi %mul3A_108, %add3A_109 : i32
      %dma_wait3A_111 = arith.constant 0 : i32
      %dma_wait3A_112 = arith.constant 0 : i32
      %dma_wait3A_113 = arith.constant 0 : i32
      %dma_wait3A_114 = tpu.memref_slice %arg6[%dma_wait3A_111, %dma_wait3A_112, %dma_wait3A_113] : memref<2x128x128xf32, #tpu.memory_space<vmem>> -> memref<1x128x128xf32, #tpu.memory_space<vmem>>
      %dma_wait3A_115 = tpu.memref_squeeze %dma_wait3A_114 : memref<1x128x128xf32, #tpu.memory_space<vmem>> -> memref<128x128xf32, #tpu.memory_space<vmem>>
      %dma_wait3A_116 = arith.constant 0 : i32
      %dma_wait3A_117 = tpu.memref_slice %arg5[%dma_wait3A_116] : memref<6400xi32, #tpu.memory_space<vmem>> -> memref<128xi32, #tpu.memory_space<vmem>>
      %dma_wait3A_118 = arith.constant 0 : i32
      %dma_wait3A_119 = arith.constant 0 : i32
      %dma_wait3A_120 = tpu.memref_slice %arg3[%dma_wait3A_118, %dma_wait3A_119] : memref<100000x128xf32, #tpu.memory_space<hbm>> -> memref<100000x128xf32, #tpu.memory_space<hbm>>
      tpu.wait_indirect_dma semaphore(%arg7 : memref<!tpu.dma_semaphore, #tpu.memory_space<semaphore_mem>>) src(%dma_wait3A_120 : memref<100000x128xf32, #tpu.memory_space<hbm>>) dst(%dma_wait3A_115 : memref<128x128xf32, #tpu.memory_space<vmem>>)
      %mul3A_121 = arith.constant 128 : i32
      %mul3A_122 = arith.muli %add3A_110, %mul3A_121 : i32
      %add3A_123 = arith.addi %mul3A_2, %mul3A_122 : i32
      %dma_start3A_124 = arith.constant 0 : i32
      %dma_start3A_125 = arith.constant 0 : i32
      %dma_start3A_126 = arith.constant 0 : i32
      %dma_start3A_127 = tpu.memref_slice %arg6[%dma_start3A_124, %dma_start3A_125, %dma_start3A_126] : memref<2x128x128xf32, #tpu.memory_space<vmem>> -> memref<1x128x128xf32, #tpu.memory_space<vmem>>
      %dma_start3A_128 = tpu.memref_squeeze %dma_start3A_127 : memref<1x128x128xf32, #tpu.memory_space<vmem>> -> memref<128x128xf32, #tpu.memory_space<vmem>>
      %dma_start3A_129 = arith.constant 0 : i32
      %dma_start3A_130 = tpu.memref_slice %arg4[%add3A_123, %dma_start3A_129] : memref<204800x128xf32, #tpu.memory_space<hbm>> -> memref<128x128xf32, #tpu.memory_space<hbm>>
      %dma_start3A_131 = arith.constant 0 : i32
      %dma_start3A_132 = tpu.memref_slice %arg4[%add3A_123, %dma_start3A_131] : memref<204800x128xf32, #tpu.memory_space<hbm>> -> memref<128x128xf32, #tpu.memory_space<hbm>>
      %dma_start3A_133 = arith.constant 0 : i32
      %dma_start3A_134 = arith.constant 0 : i32
      %dma_start3A_135 = tpu.memref_slice %arg6[%dma_start3A_124, %dma_start3A_133, %dma_start3A_134] : memref<2x128x128xf32, #tpu.memory_space<vmem>> -> memref<1x128x128xf32, #tpu.memory_space<vmem>>
      %dma_start3A_136 = tpu.memref_squeeze %dma_start3A_135 : memref<1x128x128xf32, #tpu.memory_space<vmem>> -> memref<128x128xf32, #tpu.memory_space<vmem>>
      tpu.enqueue_dma source(%dma_start3A_136 : memref<128x128xf32, #tpu.memory_space<vmem>>) target(%dma_start3A_132 : memref<128x128xf32, #tpu.memory_space<hbm>>) target_semaphore(%arg9 : memref<!tpu.dma_semaphore, #tpu.memory_space<semaphore_mem>>)
      %mul3A_137 = arith.constant 128 : i32
      %mul3A_138 = arith.muli %add3A_110, %mul3A_137 : i32
      %add3A_139 = arith.addi %mul3A_2, %mul3A_138 : i32
      %dma_wait3A_140 = arith.constant 0 : i32
      %dma_wait3A_141 = arith.constant 0 : i32
      %dma_wait3A_142 = arith.constant 0 : i32
      %dma_wait3A_143 = tpu.memref_slice %arg6[%dma_wait3A_140, %dma_wait3A_141, %dma_wait3A_142] : memref<2x128x128xf32, #tpu.memory_space<vmem>> -> memref<1x128x128xf32, #tpu.memory_space<vmem>>
      %dma_wait3A_144 = tpu.memref_squeeze %dma_wait3A_143 : memref<1x128x128xf32, #tpu.memory_space<vmem>> -> memref<128x128xf32, #tpu.memory_space<vmem>>
      %dma_wait3A_145 = arith.constant 0 : i32
      %dma_wait3A_146 = tpu.memref_slice %arg4[%add3A_139, %dma_wait3A_145] : memref<204800x128xf32, #tpu.memory_space<hbm>> -> memref<128x128xf32, #tpu.memory_space<hbm>>
      %dma_wait3A_147 = arith.constant 0 : i32
      %dma_wait3A_148 = tpu.memref_slice %arg4[%add3A_139, %dma_wait3A_147] : memref<204800x128xf32, #tpu.memory_space<hbm>> -> memref<128x128xf32, #tpu.memory_space<hbm>>
      %dma_wait3A_149 = arith.constant 0 : i32
      %dma_wait3A_150 = arith.constant 0 : i32
      %dma_wait3A_151 = tpu.memref_slice %arg6[%dma_wait3A_140, %dma_wait3A_149, %dma_wait3A_150] : memref<2x128x128xf32, #tpu.memory_space<vmem>> -> memref<1x128x128xf32, #tpu.memory_space<vmem>>
      %dma_wait3A_152 = tpu.memref_squeeze %dma_wait3A_151 : memref<1x128x128xf32, #tpu.memory_space<vmem>> -> memref<128x128xf32, #tpu.memory_space<vmem>>
      tpu.wait_dma2 semaphore(%arg9 : memref<!tpu.dma_semaphore, #tpu.memory_space<semaphore_mem>>) src(%dma_wait3A_152 : memref<128x128xf32, #tpu.memory_space<vmem>>) dst(%dma_wait3A_148 : memref<128x128xf32, #tpu.memory_space<hbm>>)
      %add3A_153 = arith.constant 2 : i32
      %add3A_154 = arith.addi %add3A_110, %add3A_153 : i32
      %mul3A_155 = arith.constant 128 : i32
      %mul3A_156 = arith.muli %add3A_154, %mul3A_155 : i32
      %dma_start3A_157 = arith.constant 0 : i32
      %dma_start3A_158 = arith.constant 0 : i32
      %dma_start3A_159 = arith.constant 0 : i32
      %dma_start3A_160 = tpu.memref_slice %arg6[%dma_start3A_157, %dma_start3A_158, %dma_start3A_159] : memref<2x128x128xf32, #tpu.memory_space<vmem>> -> memref<1x128x128xf32, #tpu.memory_space<vmem>>
      %dma_start3A_161 = tpu.memref_squeeze %dma_start3A_160 : memref<1x128x128xf32, #tpu.memory_space<vmem>> -> memref<128x128xf32, #tpu.memory_space<vmem>>
      %dma_start3A_162 = tpu.memref_slice %arg5[%mul3A_156] : memref<6400xi32, #tpu.memory_space<vmem>> -> memref<128xi32, #tpu.memory_space<vmem>>
      %dma_start3A_163 = arith.constant 0 : i32
      %dma_start3A_164 = arith.constant 0 : i32
      %dma_start3A_165 = tpu.memref_slice %arg3[%dma_start3A_163, %dma_start3A_164] : memref<100000x128xf32, #tpu.memory_space<hbm>> -> memref<100000x128xf32, #tpu.memory_space<hbm>>
      tpu.enqueue_indirect_dma source(%dma_start3A_165 : memref<100000x128xf32, #tpu.memory_space<hbm>>) target(%dma_start3A_161 : memref<128x128xf32, #tpu.memory_space<vmem>>) offsets(%dma_start3A_162 : memref<128xi32, #tpu.memory_space<vmem>>) semaphore(%arg7 : memref<!tpu.dma_semaphore, #tpu.memory_space<semaphore_mem>>)
      %mul3A_166 = arith.constant 2 : i32
      %mul3A_167 = arith.muli %scan3A_106, %mul3A_166 : i32
      %add3A_168 = arith.constant 1 : i32
      %add3A_169 = arith.addi %mul3A_167, %add3A_168 : i32
      %dma_wait3A_170 = arith.constant 1 : i32
      %dma_wait3A_171 = arith.constant 0 : i32
      %dma_wait3A_172 = arith.constant 0 : i32
      %dma_wait3A_173 = tpu.memref_slice %arg6[%dma_wait3A_170, %dma_wait3A_171, %dma_wait3A_172] : memref<2x128x128xf32, #tpu.memory_space<vmem>> -> memref<1x128x128xf32, #tpu.memory_space<vmem>>
      %dma_wait3A_174 = tpu.memref_squeeze %dma_wait3A_173 : memref<1x128x128xf32, #tpu.memory_space<vmem>> -> memref<128x128xf32, #tpu.memory_space<vmem>>
      %dma_wait3A_175 = arith.constant 0 : i32
      %dma_wait3A_176 = tpu.memref_slice %arg5[%dma_wait3A_175] : memref<6400xi32, #tpu.memory_space<vmem>> -> memref<128xi32, #tpu.memory_space<vmem>>
      %dma_wait3A_177 = arith.constant 0 : i32
      %dma_wait3A_178 = arith.constant 0 : i32
      %dma_wait3A_179 = tpu.memref_slice %arg3[%dma_wait3A_177, %dma_wait3A_178] : memref<100000x128xf32, #tpu.memory_space<hbm>> -> memref<100000x128xf32, #tpu.memory_space<hbm>>
      tpu.wait_indirect_dma semaphore(%arg8 : memref<!tpu.dma_semaphore, #tpu.memory_space<semaphore_mem>>) src(%dma_wait3A_179 : memref<100000x128xf32, #tpu.memory_space<hbm>>) dst(%dma_wait3A_174 : memref<128x128xf32, #tpu.memory_space<vmem>>)
      %mul3A_180 = arith.constant 128 : i32
      %mul3A_181 = arith.muli %add3A_169, %mul3A_180 : i32
      %add3A_182 = arith.addi %mul3A_2, %mul3A_181 : i32
      %dma_start3A_183 = arith.constant 1 : i32
      %dma_start3A_184 = arith.constant 0 : i32
      %dma_start3A_185 = arith.constant 0 : i32
      %dma_start3A_186 = tpu.memref_slice %arg6[%dma_start3A_183, %dma_start3A_184, %dma_start3A_185] : memref<2x128x128xf32, #tpu.memory_space<vmem>> -> memref<1x128x128xf32, #tpu.memory_space<vmem>>
      %dma_start3A_187 = tpu.memref_squeeze %dma_start3A_186 : memref<1x128x128xf32, #tpu.memory_space<vmem>> -> memref<128x128xf32, #tpu.memory_space<vmem>>
      %dma_start3A_188 = arith.constant 0 : i32
      %dma_start3A_189 = tpu.memref_slice %arg4[%add3A_182, %dma_start3A_188] : memref<204800x128xf32, #tpu.memory_space<hbm>> -> memref<128x128xf32, #tpu.memory_space<hbm>>
      %dma_start3A_190 = arith.constant 0 : i32
      %dma_start3A_191 = tpu.memref_slice %arg4[%add3A_182, %dma_start3A_190] : memref<204800x128xf32, #tpu.memory_space<hbm>> -> memref<128x128xf32, #tpu.memory_space<hbm>>
      %dma_start3A_192 = arith.constant 0 : i32
      %dma_start3A_193 = arith.constant 0 : i32
      %dma_start3A_194 = tpu.memref_slice %arg6[%dma_start3A_183, %dma_start3A_192, %dma_start3A_193] : memref<2x128x128xf32, #tpu.memory_space<vmem>> -> memref<1x128x128xf32, #tpu.memory_space<vmem>>
      %dma_start3A_195 = tpu.memref_squeeze %dma_start3A_194 : memref<1x128x128xf32, #tpu.memory_space<vmem>> -> memref<128x128xf32, #tpu.memory_space<vmem>>
      tpu.enqueue_dma source(%dma_start3A_195 : memref<128x128xf32, #tpu.memory_space<vmem>>) target(%dma_start3A_191 : memref<128x128xf32, #tpu.memory_space<hbm>>) target_semaphore(%arg10 : memref<!tpu.dma_semaphore, #tpu.memory_space<semaphore_mem>>)
      %mul3A_196 = arith.constant 128 : i32
      %mul3A_197 = arith.muli %add3A_169, %mul3A_196 : i32
      %add3A_198 = arith.addi %mul3A_2, %mul3A_197 : i32
      %dma_wait3A_199 = arith.constant 1 : i32
      %dma_wait3A_200 = arith.constant 0 : i32
      %dma_wait3A_201 = arith.constant 0 : i32
      %dma_wait3A_202 = tpu.memref_slice %arg6[%dma_wait3A_199, %dma_wait3A_200, %dma_wait3A_201] : memref<2x128x128xf32, #tpu.memory_space<vmem>> -> memref<1x128x128xf32, #tpu.memory_space<vmem>>
      %dma_wait3A_203 = tpu.memref_squeeze %dma_wait3A_202 : memref<1x128x128xf32, #tpu.memory_space<vmem>> -> memref<128x128xf32, #tpu.memory_space<vmem>>
      %dma_wait3A_204 = arith.constant 0 : i32
      %dma_wait3A_205 = tpu.memref_slice %arg4[%add3A_198, %dma_wait3A_204] : memref<204800x128xf32, #tpu.memory_space<hbm>> -> memref<128x128xf32, #tpu.memory_space<hbm>>
      %dma_wait3A_206 = arith.constant 0 : i32
      %dma_wait3A_207 = tpu.memref_slice %arg4[%add3A_198, %dma_wait3A_206] : memref<204800x128xf32, #tpu.memory_space<hbm>> -> memref<128x128xf32, #tpu.memory_space<hbm>>
      %dma_wait3A_208 = arith.constant 0 : i32
      %dma_wait3A_209 = arith.constant 0 : i32
      %dma_wait3A_210 = tpu.memref_slice %arg6[%dma_wait3A_199, %dma_wait3A_208, %dma_wait3A_209] : memref<2x128x128xf32, #tpu.memory_space<vmem>> -> memref<1x128x128xf32, #tpu.memory_space<vmem>>
      %dma_wait3A_211 = tpu.memref_squeeze %dma_wait3A_210 : memref<1x128x128xf32, #tpu.memory_space<vmem>> -> memref<128x128xf32, #tpu.memory_space<vmem>>
      tpu.wait_dma2 semaphore(%arg10 : memref<!tpu.dma_semaphore, #tpu.memory_space<semaphore_mem>>) src(%dma_wait3A_211 : memref<128x128xf32, #tpu.memory_space<vmem>>) dst(%dma_wait3A_207 : memref<128x128xf32, #tpu.memory_space<hbm>>)
      %add3A_212 = arith.constant 2 : i32
      %add3A_213 = arith.addi %add3A_169, %add3A_212 : i32
      %mul3A_214 = arith.constant 128 : i32
      %mul3A_215 = arith.muli %add3A_213, %mul3A_214 : i32
      %dma_start3A_216 = arith.constant 1 : i32
      %dma_start3A_217 = arith.constant 0 : i32
      %dma_start3A_218 = arith.constant 0 : i32
      %dma_start3A_219 = tpu.memref_slice %arg6[%dma_start3A_216, %dma_start3A_217, %dma_start3A_218] : memref<2x128x128xf32, #tpu.memory_space<vmem>> -> memref<1x128x128xf32, #tpu.memory_space<vmem>>
      %dma_start3A_220 = tpu.memref_squeeze %dma_start3A_219 : memref<1x128x128xf32, #tpu.memory_space<vmem>> -> memref<128x128xf32, #tpu.memory_space<vmem>>
      %dma_start3A_221 = tpu.memref_slice %arg5[%mul3A_215] : memref<6400xi32, #tpu.memory_space<vmem>> -> memref<128xi32, #tpu.memory_space<vmem>>
      %dma_start3A_222 = arith.constant 0 : i32
      %dma_start3A_223 = arith.constant 0 : i32
      %dma_start3A_224 = tpu.memref_slice %arg3[%dma_start3A_222, %dma_start3A_223] : memref<100000x128xf32, #tpu.memory_space<hbm>> -> memref<100000x128xf32, #tpu.memory_space<hbm>>
      tpu.enqueue_indirect_dma source(%dma_start3A_224 : memref<100000x128xf32, #tpu.memory_space<hbm>>) target(%dma_start3A_220 : memref<128x128xf32, #tpu.memory_space<vmem>>) offsets(%dma_start3A_221 : memref<128xi32, #tpu.memory_space<vmem>>) semaphore(%arg8 : memref<!tpu.dma_semaphore, #tpu.memory_space<semaphore_mem>>)
    }
    %scan3A_26 = arith.constant 24 : i32
    %dma_wait3A = arith.constant 0 : i32
    %dma_wait3A_27 = arith.constant 0 : i32
    %dma_wait3A_28 = arith.constant 0 : i32
    %dma_wait3A_29 = tpu.memref_slice %arg6[%dma_wait3A, %dma_wait3A_27, %dma_wait3A_28] : memref<2x128x128xf32, #tpu.memory_space<vmem>> -> memref<1x128x128xf32, #tpu.memory_space<vmem>>
    %dma_wait3A_30 = tpu.memref_squeeze %dma_wait3A_29 : memref<1x128x128xf32, #tpu.memory_space<vmem>> -> memref<128x128xf32, #tpu.memory_space<vmem>>
    %dma_wait3A_31 = arith.constant 0 : i32
    %dma_wait3A_32 = tpu.memref_slice %arg5[%dma_wait3A_31] : memref<6400xi32, #tpu.memory_space<vmem>> -> memref<128xi32, #tpu.memory_space<vmem>>
    %dma_wait3A_33 = arith.constant 0 : i32
    %dma_wait3A_34 = arith.constant 0 : i32
    %dma_wait3A_35 = tpu.memref_slice %arg3[%dma_wait3A_33, %dma_wait3A_34] : memref<100000x128xf32, #tpu.memory_space<hbm>> -> memref<100000x128xf32, #tpu.memory_space<hbm>>
    tpu.wait_indirect_dma semaphore(%arg7 : memref<!tpu.dma_semaphore, #tpu.memory_space<semaphore_mem>>) src(%dma_wait3A_35 : memref<100000x128xf32, #tpu.memory_space<hbm>>) dst(%dma_wait3A_30 : memref<128x128xf32, #tpu.memory_space<vmem>>)
    %add3A_36 = arith.constant 6144 : i32
    %add3A_37 = arith.addi %mul3A_2, %add3A_36 : i32
    %dma_start3A_38 = arith.constant 0 : i32
    %dma_start3A_39 = arith.constant 0 : i32
    %dma_start3A_40 = arith.constant 0 : i32
    %dma_start3A_41 = tpu.memref_slice %arg6[%dma_start3A_38, %dma_start3A_39, %dma_start3A_40] : memref<2x128x128xf32, #tpu.memory_space<vmem>> -> memref<1x128x128xf32, #tpu.memory_space<vmem>>
    %dma_start3A_42 = tpu.memref_squeeze %dma_start3A_41 : memref<1x128x128xf32, #tpu.memory_space<vmem>> -> memref<128x128xf32, #tpu.memory_space<vmem>>
    %dma_start3A_43 = arith.constant 0 : i32
    %dma_start3A_44 = tpu.memref_slice %arg4[%add3A_37, %dma_start3A_43] : memref<204800x128xf32, #tpu.memory_space<hbm>> -> memref<128x128xf32, #tpu.memory_space<hbm>>
    %dma_start3A_45 = arith.constant 0 : i32
    %dma_start3A_46 = tpu.memref_slice %arg4[%add3A_37, %dma_start3A_45] : memref<204800x128xf32, #tpu.memory_space<hbm>> -> memref<128x128xf32, #tpu.memory_space<hbm>>
    %dma_start3A_47 = arith.constant 0 : i32
    %dma_start3A_48 = arith.constant 0 : i32
    %dma_start3A_49 = tpu.memref_slice %arg6[%dma_start3A_38, %dma_start3A_47, %dma_start3A_48] : memref<2x128x128xf32, #tpu.memory_space<vmem>> -> memref<1x128x128xf32, #tpu.memory_space<vmem>>
    %dma_start3A_50 = tpu.memref_squeeze %dma_start3A_49 : memref<1x128x128xf32, #tpu.memory_space<vmem>> -> memref<128x128xf32, #tpu.memory_space<vmem>>
    tpu.enqueue_dma source(%dma_start3A_50 : memref<128x128xf32, #tpu.memory_space<vmem>>) target(%dma_start3A_46 : memref<128x128xf32, #tpu.memory_space<hbm>>) target_semaphore(%arg9 : memref<!tpu.dma_semaphore, #tpu.memory_space<semaphore_mem>>)
    %dma_wait3A_51 = arith.constant 1 : i32
    %dma_wait3A_52 = arith.constant 0 : i32
    %dma_wait3A_53 = arith.constant 0 : i32
    %dma_wait3A_54 = tpu.memref_slice %arg6[%dma_wait3A_51, %dma_wait3A_52, %dma_wait3A_53] : memref<2x128x128xf32, #tpu.memory_space<vmem>> -> memref<1x128x128xf32, #tpu.memory_space<vmem>>
    %dma_wait3A_55 = tpu.memref_squeeze %dma_wait3A_54 : memref<1x128x128xf32, #tpu.memory_space<vmem>> -> memref<128x128xf32, #tpu.memory_space<vmem>>
    %dma_wait3A_56 = arith.constant 0 : i32
    %dma_wait3A_57 = tpu.memref_slice %arg5[%dma_wait3A_56] : memref<6400xi32, #tpu.memory_space<vmem>> -> memref<128xi32, #tpu.memory_space<vmem>>
    %dma_wait3A_58 = arith.constant 0 : i32
    %dma_wait3A_59 = arith.constant 0 : i32
    %dma_wait3A_60 = tpu.memref_slice %arg3[%dma_wait3A_58, %dma_wait3A_59] : memref<100000x128xf32, #tpu.memory_space<hbm>> -> memref<100000x128xf32, #tpu.memory_space<hbm>>
    tpu.wait_indirect_dma semaphore(%arg8 : memref<!tpu.dma_semaphore, #tpu.memory_space<semaphore_mem>>) src(%dma_wait3A_60 : memref<100000x128xf32, #tpu.memory_space<hbm>>) dst(%dma_wait3A_55 : memref<128x128xf32, #tpu.memory_space<vmem>>)
    %add3A_61 = arith.constant 6272 : i32
    %add3A_62 = arith.addi %mul3A_2, %add3A_61 : i32
    %dma_start3A_63 = arith.constant 1 : i32
    %dma_start3A_64 = arith.constant 0 : i32
    %dma_start3A_65 = arith.constant 0 : i32
    %dma_start3A_66 = tpu.memref_slice %arg6[%dma_start3A_63, %dma_start3A_64, %dma_start3A_65] : memref<2x128x128xf32, #tpu.memory_space<vmem>> -> memref<1x128x128xf32, #tpu.memory_space<vmem>>
    %dma_start3A_67 = tpu.memref_squeeze %dma_start3A_66 : memref<1x128x128xf32, #tpu.memory_space<vmem>> -> memref<128x128xf32, #tpu.memory_space<vmem>>
    %dma_start3A_68 = arith.constant 0 : i32
    %dma_start3A_69 = tpu.memref_slice %arg4[%add3A_62, %dma_start3A_68] : memref<204800x128xf32, #tpu.memory_space<hbm>> -> memref<128x128xf32, #tpu.memory_space<hbm>>
    %dma_start3A_70 = arith.constant 0 : i32
    %dma_start3A_71 = tpu.memref_slice %arg4[%add3A_62, %dma_start3A_70] : memref<204800x128xf32, #tpu.memory_space<hbm>> -> memref<128x128xf32, #tpu.memory_space<hbm>>
    %dma_start3A_72 = arith.constant 0 : i32
    %dma_start3A_73 = arith.constant 0 : i32
    %dma_start3A_74 = tpu.memref_slice %arg6[%dma_start3A_63, %dma_start3A_72, %dma_start3A_73] : memref<2x128x128xf32, #tpu.memory_space<vmem>> -> memref<1x128x128xf32, #tpu.memory_space<vmem>>
    %dma_start3A_75 = tpu.memref_squeeze %dma_start3A_74 : memref<1x128x128xf32, #tpu.memory_space<vmem>> -> memref<128x128xf32, #tpu.memory_space<vmem>>
    tpu.enqueue_dma source(%dma_start3A_75 : memref<128x128xf32, #tpu.memory_space<vmem>>) target(%dma_start3A_71 : memref<128x128xf32, #tpu.memory_space<hbm>>) target_semaphore(%arg10 : memref<!tpu.dma_semaphore, #tpu.memory_space<semaphore_mem>>)
    %add3A_76 = arith.constant 6144 : i32
    %add3A_77 = arith.addi %mul3A_2, %add3A_76 : i32
    %dma_wait3A_78 = arith.constant 0 : i32
    %dma_wait3A_79 = arith.constant 0 : i32
    %dma_wait3A_80 = arith.constant 0 : i32
    %dma_wait3A_81 = tpu.memref_slice %arg6[%dma_wait3A_78, %dma_wait3A_79, %dma_wait3A_80] : memref<2x128x128xf32, #tpu.memory_space<vmem>> -> memref<1x128x128xf32, #tpu.memory_space<vmem>>
    %dma_wait3A_82 = tpu.memref_squeeze %dma_wait3A_81 : memref<1x128x128xf32, #tpu.memory_space<vmem>> -> memref<128x128xf32, #tpu.memory_space<vmem>>
    %dma_wait3A_83 = arith.constant 0 : i32
    %dma_wait3A_84 = tpu.memref_slice %arg4[%add3A_77, %dma_wait3A_83] : memref<204800x128xf32, #tpu.memory_space<hbm>> -> memref<128x128xf32, #tpu.memory_space<hbm>>
    %dma_wait3A_85 = arith.constant 0 : i32
    %dma_wait3A_86 = tpu.memref_slice %arg4[%add3A_77, %dma_wait3A_85] : memref<204800x128xf32, #tpu.memory_space<hbm>> -> memref<128x128xf32, #tpu.memory_space<hbm>>
    %dma_wait3A_87 = arith.constant 0 : i32
    %dma_wait3A_88 = arith.constant 0 : i32
    %dma_wait3A_89 = tpu.memref_slice %arg6[%dma_wait3A_78, %dma_wait3A_87, %dma_wait3A_88] : memref<2x128x128xf32, #tpu.memory_space<vmem>> -> memref<1x128x128xf32, #tpu.memory_space<vmem>>
    %dma_wait3A_90 = tpu.memref_squeeze %dma_wait3A_89 : memref<1x128x128xf32, #tpu.memory_space<vmem>> -> memref<128x128xf32, #tpu.memory_space<vmem>>
    tpu.wait_dma2 semaphore(%arg9 : memref<!tpu.dma_semaphore, #tpu.memory_space<semaphore_mem>>) src(%dma_wait3A_90 : memref<128x128xf32, #tpu.memory_space<vmem>>) dst(%dma_wait3A_86 : memref<128x128xf32, #tpu.memory_space<hbm>>)
    %add3A_91 = arith.constant 6272 : i32
    %add3A_92 = arith.addi %mul3A_2, %add3A_91 : i32
    %dma_wait3A_93 = arith.constant 1 : i32
    %dma_wait3A_94 = arith.constant 0 : i32
    %dma_wait3A_95 = arith.constant 0 : i32
    %dma_wait3A_96 = tpu.memref_slice %arg6[%dma_wait3A_93, %dma_wait3A_94, %dma_wait3A_95] : memref<2x128x128xf32, #tpu.memory_space<vmem>> -> memref<1x128x128xf32, #tpu.memory_space<vmem>>
    %dma_wait3A_97 = tpu.memref_squeeze %dma_wait3A_96 : memref<1x128x128xf32, #tpu.memory_space<vmem>> -> memref<128x128xf32, #tpu.memory_space<vmem>>
    %dma_wait3A_98 = arith.constant 0 : i32
    %dma_wait3A_99 = tpu.memref_slice %arg4[%add3A_92, %dma_wait3A_98] : memref<204800x128xf32, #tpu.memory_space<hbm>> -> memref<128x128xf32, #tpu.memory_space<hbm>>
    %dma_wait3A_100 = arith.constant 0 : i32
    %dma_wait3A_101 = tpu.memref_slice %arg4[%add3A_92, %dma_wait3A_100] : memref<204800x128xf32, #tpu.memory_space<hbm>> -> memref<128x128xf32, #tpu.memory_space<hbm>>
    %dma_wait3A_102 = arith.constant 0 : i32
    %dma_wait3A_103 = arith.constant 0 : i32
    %dma_wait3A_104 = tpu.memref_slice %arg6[%dma_wait3A_93, %dma_wait3A_102, %dma_wait3A_103] : memref<2x128x128xf32, #tpu.memory_space<vmem>> -> memref<1x128x128xf32, #tpu.memory_space<vmem>>
    %dma_wait3A_105 = tpu.memref_squeeze %dma_wait3A_104 : memref<1x128x128xf32, #tpu.memory_space<vmem>> -> memref<128x128xf32, #tpu.memory_space<vmem>>
    tpu.wait_dma2 semaphore(%arg10 : memref<!tpu.dma_semaphore, #tpu.memory_space<semaphore_mem>>) src(%dma_wait3A_105 : memref<128x128xf32, #tpu.memory_space<vmem>>) dst(%dma_wait3A_101 : memref<128x128xf32, #tpu.memory_space<hbm>>)
    return
  }
}

#map = affine_map<(d0, d1) -> (0)>
#map1 = affine_map<(d0, d1) -> (0, 0)>
module attributes {stable_mosaic.version = 14 : i64} {
  func.func @k(%arg0: i32, %arg1: i32, %arg2: memref<204800xi32, #tpu.memory_space<hbm>>, %arg3: memref<100000x128xf32, #tpu.memory_space<hbm>>, %arg4: memref<204800x128xf32, #tpu.memory_space<hbm>>, %arg5: memref<6400xi32, #tpu.memory_space<vmem>>, %arg6: memref<2x128x128xf32, #tpu.memory_space<vmem>>, %arg7: memref<!tpu.dma_semaphore, #tpu.memory_space<semaphore_mem>>, %arg8: memref<!tpu.dma_semaphore, #tpu.memory_space<semaphore_mem>>, %arg9: memref<!tpu.dma_semaphore, #tpu.memory_space<semaphore_mem>>, %arg10: memref<!tpu.dma_semaphore, #tpu.memory_space<semaphore_mem>>) attributes {dimension_semantics = [#tpu.dimension_semantics<core_parallel>, #tpu.dimension_semantics<subcore_parallel>], iteration_bounds = array<i64: 2, 16>, scalar_prefetch = 0 : i64, scratch_operands = 6 : i64, tpu.core_type = #tpu.core_type<sc_vector_subcore>, window_params = [{transform_indices = #map}, {transform_indices = #map1}, {transform_indices = #map1}]} {
    %mul3A = arith.constant 2 : i32
    %mul3A_0 = arith.muli %arg1, %mul3A : i32
    %add3A = arith.addi %mul3A_0, %arg0 : i32
    %mul3A_1 = arith.constant 6400 : i32
    %mul3A_2 = arith.muli %add3A, %mul3A_1 : i32
    "tpu.region"() ({
      %run_scoped3A = tpu.sem_alloc : memref<!tpu.dma_semaphore, #tpu.memory_space<semaphore_mem>>
      %dma_start3A_106 = tpu.memref_slice %arg2[%mul3A_2] : memref<204800xi32, #tpu.memory_space<hbm>> -> memref<6400xi32, #tpu.memory_space<hbm>>
      %dma_start3A_107 = tpu.memref_slice %arg2[%mul3A_2] : memref<204800xi32, #tpu.memory_space<hbm>> -> memref<6400xi32, #tpu.memory_space<hbm>>
      tpu.enqueue_dma source(%dma_start3A_107 : memref<6400xi32, #tpu.memory_space<hbm>>) target(%arg5 : memref<6400xi32, #tpu.memory_space<vmem>>) target_semaphore(%run_scoped3A : memref<!tpu.dma_semaphore, #tpu.memory_space<semaphore_mem>>)
      %dma_wait3A_108 = tpu.memref_slice %arg2[%mul3A_2] : memref<204800xi32, #tpu.memory_space<hbm>> -> memref<6400xi32, #tpu.memory_space<hbm>>
      %dma_wait3A_109 = tpu.memref_slice %arg2[%mul3A_2] : memref<204800xi32, #tpu.memory_space<hbm>> -> memref<6400xi32, #tpu.memory_space<hbm>>
      tpu.wait_dma2 semaphore(%run_scoped3A : memref<!tpu.dma_semaphore, #tpu.memory_space<semaphore_mem>>) src(%dma_wait3A_109 : memref<6400xi32, #tpu.memory_space<hbm>>) dst(%arg5 : memref<6400xi32, #tpu.memory_space<vmem>>)
      tpu.yield
    }) : () -> ()
    %dma_start3A = arith.constant 0 : i32
    %dma_start3A_3 = arith.constant 0 : i32
    %dma_start3A_4 = arith.constant 0 : i32
    %dma_start3A_5 = tpu.memref_slice %arg6[%dma_start3A, %dma_start3A_3, %dma_start3A_4] : memref<2x128x128xf32, #tpu.memory_space<vmem>> -> memref<1x128x128xf32, #tpu.memory_space<vmem>>
    %dma_start3A_6 = tpu.memref_squeeze %dma_start3A_5 : memref<1x128x128xf32, #tpu.memory_space<vmem>> -> memref<128x128xf32, #tpu.memory_space<vmem>>
    %dma_start3A_7 = arith.constant 0 : i32
    %dma_start3A_8 = tpu.memref_slice %arg5[%dma_start3A_7] : memref<6400xi32, #tpu.memory_space<vmem>> -> memref<128xi32, #tpu.memory_space<vmem>>
    %dma_start3A_9 = arith.constant 0 : i32
    %dma_start3A_10 = arith.constant 0 : i32
    %dma_start3A_11 = tpu.memref_slice %arg3[%dma_start3A_9, %dma_start3A_10] : memref<100000x128xf32, #tpu.memory_space<hbm>> -> memref<100000x128xf32, #tpu.memory_space<hbm>>
    tpu.enqueue_indirect_dma source(%dma_start3A_11 : memref<100000x128xf32, #tpu.memory_space<hbm>>) target(%dma_start3A_6 : memref<128x128xf32, #tpu.memory_space<vmem>>) offsets(%dma_start3A_8 : memref<128xi32, #tpu.memory_space<vmem>>) semaphore(%arg7 : memref<!tpu.dma_semaphore, #tpu.memory_space<semaphore_mem>>)
    %dma_start3A_12 = arith.constant 1 : i32
    %dma_start3A_13 = arith.constant 0 : i32
    %dma_start3A_14 = arith.constant 0 : i32
    %dma_start3A_15 = tpu.memref_slice %arg6[%dma_start3A_12, %dma_start3A_13, %dma_start3A_14] : memref<2x128x128xf32, #tpu.memory_space<vmem>> -> memref<1x128x128xf32, #tpu.memory_space<vmem>>
    %dma_start3A_16 = tpu.memref_squeeze %dma_start3A_15 : memref<1x128x128xf32, #tpu.memory_space<vmem>> -> memref<128x128xf32, #tpu.memory_space<vmem>>
    %dma_start3A_17 = arith.constant 128 : i32
    %dma_start3A_18 = tpu.memref_slice %arg5[%dma_start3A_17] : memref<6400xi32, #tpu.memory_space<vmem>> -> memref<128xi32, #tpu.memory_space<vmem>>
    %dma_start3A_19 = arith.constant 0 : i32
    %dma_start3A_20 = arith.constant 0 : i32
    %dma_start3A_21 = tpu.memref_slice %arg3[%dma_start3A_19, %dma_start3A_20] : memref<100000x128xf32, #tpu.memory_space<hbm>> -> memref<100000x128xf32, #tpu.memory_space<hbm>>
    tpu.enqueue_indirect_dma source(%dma_start3A_21 : memref<100000x128xf32, #tpu.memory_space<hbm>>) target(%dma_start3A_16 : memref<128x128xf32, #tpu.memory_space<vmem>>) offsets(%dma_start3A_18 : memref<128xi32, #tpu.memory_space<vmem>>) semaphore(%arg8 : memref<!tpu.dma_semaphore, #tpu.memory_space<semaphore_mem>>)
    %scan3A = arith.constant 0 : i32
    %scan3A_22 = arith.constant 0 : i32
    %scan3A_23 = arith.constant 24 : i32
    %scan3A_24 = arith.addi %scan3A_22, %scan3A_23 : i32
    %scan3A_25 = arith.constant 1 : i32
    scf.for %scan3A_106 = %scan3A_22 to %scan3A_24 step %scan3A_25  : i32 {
      %mul3A_107 = arith.constant 2 : i32
      %mul3A_108 = arith.muli %scan3A_106, %mul3A_107 : i32
      %add3A_109 = arith.constant 0 : i32
      %add3A_110 = arith.addi %mul3A_108, %add3A_109 : i32
      %dma_wait3A_111 = arith.constant 0 : i32
      %dma_wait3A_112 = arith.constant 0 : i32
      %dma_wait3A_113 = arith.constant 0 : i32
      %dma_wait3A_114 = tpu.memref_slice %arg6[%dma_wait3A_111, %dma_wait3A_112, %dma_wait3A_113] : memref<2x128x128xf32, #tpu.memory_space<vmem>> -> memref<1x128x128xf32, #tpu.memory_space<vmem>>
      %dma_wait3A_115 = tpu.memref_squeeze %dma_wait3A_114 : memref<1x128x128xf32, #tpu.memory_space<vmem>> -> memref<128x128xf32, #tpu.memory_space<vmem>>
      %dma_wait3A_116 = arith.constant 0 : i32
      %dma_wait3A_117 = tpu.memref_slice %arg5[%dma_wait3A_116] : memref<6400xi32, #tpu.memory_space<vmem>> -> memref<128xi32, #tpu.memory_space<vmem>>
      %dma_wait3A_118 = arith.constant 0 : i32
      %dma_wait3A_119 = arith.constant 0 : i32
      %dma_wait3A_120 = tpu.memref_slice %arg3[%dma_wait3A_118, %dma_wait3A_119] : memref<100000x128xf32, #tpu.memory_space<hbm>> -> memref<100000x128xf32, #tpu.memory_space<hbm>>
      tpu.wait_indirect_dma semaphore(%arg7 : memref<!tpu.dma_semaphore, #tpu.memory_space<semaphore_mem>>) src(%dma_wait3A_120 : memref<100000x128xf32, #tpu.memory_space<hbm>>) dst(%dma_wait3A_115 : memref<128x128xf32, #tpu.memory_space<vmem>>)
      %mul3A_121 = arith.constant 128 : i32
      %mul3A_122 = arith.muli %add3A_110, %mul3A_121 : i32
      %add3A_123 = arith.addi %mul3A_2, %mul3A_122 : i32
      %dma_start3A_124 = arith.constant 0 : i32
      %dma_start3A_125 = arith.constant 0 : i32
      %dma_start3A_126 = arith.constant 0 : i32
      %dma_start3A_127 = tpu.memref_slice %arg6[%dma_start3A_124, %dma_start3A_125, %dma_start3A_126] : memref<2x128x128xf32, #tpu.memory_space<vmem>> -> memref<1x128x128xf32, #tpu.memory_space<vmem>>
      %dma_start3A_128 = tpu.memref_squeeze %dma_start3A_127 : memref<1x128x128xf32, #tpu.memory_space<vmem>> -> memref<128x128xf32, #tpu.memory_space<vmem>>
      %dma_start3A_129 = arith.constant 0 : i32
      %dma_start3A_130 = tpu.memref_slice %arg4[%add3A_123, %dma_start3A_129] : memref<204800x128xf32, #tpu.memory_space<hbm>> -> memref<128x128xf32, #tpu.memory_space<hbm>>
      %dma_start3A_131 = arith.constant 0 : i32
      %dma_start3A_132 = tpu.memref_slice %arg4[%add3A_123, %dma_start3A_131] : memref<204800x128xf32, #tpu.memory_space<hbm>> -> memref<128x128xf32, #tpu.memory_space<hbm>>
      %dma_start3A_133 = arith.constant 0 : i32
      %dma_start3A_134 = arith.constant 0 : i32
      %dma_start3A_135 = tpu.memref_slice %arg6[%dma_start3A_124, %dma_start3A_133, %dma_start3A_134] : memref<2x128x128xf32, #tpu.memory_space<vmem>> -> memref<1x128x128xf32, #tpu.memory_space<vmem>>
      %dma_start3A_136 = tpu.memref_squeeze %dma_start3A_135 : memref<1x128x128xf32, #tpu.memory_space<vmem>> -> memref<128x128xf32, #tpu.memory_space<vmem>>
      tpu.enqueue_dma source(%dma_start3A_136 : memref<128x128xf32, #tpu.memory_space<vmem>>) target(%dma_start3A_132 : memref<128x128xf32, #tpu.memory_space<hbm>>) target_semaphore(%arg9 : memref<!tpu.dma_semaphore, #tpu.memory_space<semaphore_mem>>)
      %mul3A_137 = arith.constant 128 : i32
      %mul3A_138 = arith.muli %add3A_110, %mul3A_137 : i32
      %add3A_139 = arith.addi %mul3A_2, %mul3A_138 : i32
      %dma_wait3A_140 = arith.constant 0 : i32
      %dma_wait3A_141 = arith.constant 0 : i32
      %dma_wait3A_142 = arith.constant 0 : i32
      %dma_wait3A_143 = tpu.memref_slice %arg6[%dma_wait3A_140, %dma_wait3A_141, %dma_wait3A_142] : memref<2x128x128xf32, #tpu.memory_space<vmem>> -> memref<1x128x128xf32, #tpu.memory_space<vmem>>
      %dma_wait3A_144 = tpu.memref_squeeze %dma_wait3A_143 : memref<1x128x128xf32, #tpu.memory_space<vmem>> -> memref<128x128xf32, #tpu.memory_space<vmem>>
      %dma_wait3A_145 = arith.constant 0 : i32
      %dma_wait3A_146 = tpu.memref_slice %arg4[%add3A_139, %dma_wait3A_145] : memref<204800x128xf32, #tpu.memory_space<hbm>> -> memref<128x128xf32, #tpu.memory_space<hbm>>
      %dma_wait3A_147 = arith.constant 0 : i32
      %dma_wait3A_148 = tpu.memref_slice %arg4[%add3A_139, %dma_wait3A_147] : memref<204800x128xf32, #tpu.memory_space<hbm>> -> memref<128x128xf32, #tpu.memory_space<hbm>>
      %dma_wait3A_149 = arith.constant 0 : i32
      %dma_wait3A_150 = arith.constant 0 : i32
      %dma_wait3A_151 = tpu.memref_slice %arg6[%dma_wait3A_140, %dma_wait3A_149, %dma_wait3A_150] : memref<2x128x128xf32, #tpu.memory_space<vmem>> -> memref<1x128x128xf32, #tpu.memory_space<vmem>>
      %dma_wait3A_152 = tpu.memref_squeeze %dma_wait3A_151 : memref<1x128x128xf32, #tpu.memory_space<vmem>> -> memref<128x128xf32, #tpu.memory_space<vmem>>
      tpu.wait_dma2 semaphore(%arg9 : memref<!tpu.dma_semaphore, #tpu.memory_space<semaphore_mem>>) src(%dma_wait3A_152 : memref<128x128xf32, #tpu.memory_space<vmem>>) dst(%dma_wait3A_148 : memref<128x128xf32, #tpu.memory_space<hbm>>)
      %add3A_153 = arith.constant 2 : i32
      %add3A_154 = arith.addi %add3A_110, %add3A_153 : i32
      %mul3A_155 = arith.constant 128 : i32
      %mul3A_156 = arith.muli %add3A_154, %mul3A_155 : i32
      %dma_start3A_157 = arith.constant 0 : i32
      %dma_start3A_158 = arith.constant 0 : i32
      %dma_start3A_159 = arith.constant 0 : i32
      %dma_start3A_160 = tpu.memref_slice %arg6[%dma_start3A_157, %dma_start3A_158, %dma_start3A_159] : memref<2x128x128xf32, #tpu.memory_space<vmem>> -> memref<1x128x128xf32, #tpu.memory_space<vmem>>
      %dma_start3A_161 = tpu.memref_squeeze %dma_start3A_160 : memref<1x128x128xf32, #tpu.memory_space<vmem>> -> memref<128x128xf32, #tpu.memory_space<vmem>>
      %dma_start3A_162 = tpu.memref_slice %arg5[%mul3A_156] : memref<6400xi32, #tpu.memory_space<vmem>> -> memref<128xi32, #tpu.memory_space<vmem>>
      %dma_start3A_163 = arith.constant 0 : i32
      %dma_start3A_164 = arith.constant 0 : i32
      %dma_start3A_165 = tpu.memref_slice %arg3[%dma_start3A_163, %dma_start3A_164] : memref<100000x128xf32, #tpu.memory_space<hbm>> -> memref<100000x128xf32, #tpu.memory_space<hbm>>
      tpu.enqueue_indirect_dma source(%dma_start3A_165 : memref<100000x128xf32, #tpu.memory_space<hbm>>) target(%dma_start3A_161 : memref<128x128xf32, #tpu.memory_space<vmem>>) offsets(%dma_start3A_162 : memref<128xi32, #tpu.memory_space<vmem>>) semaphore(%arg7 : memref<!tpu.dma_semaphore, #tpu.memory_space<semaphore_mem>>)
      %mul3A_166 = arith.constant 2 : i32
      %mul3A_167 = arith.muli %scan3A_106, %mul3A_166 : i32
      %add3A_168 = arith.constant 1 : i32
      %add3A_169 = arith.addi %mul3A_167, %add3A_168 : i32
      %dma_wait3A_170 = arith.constant 1 : i32
      %dma_wait3A_171 = arith.constant 0 : i32
      %dma_wait3A_172 = arith.constant 0 : i32
      %dma_wait3A_173 = tpu.memref_slice %arg6[%dma_wait3A_170, %dma_wait3A_171, %dma_wait3A_172] : memref<2x128x128xf32, #tpu.memory_space<vmem>> -> memref<1x128x128xf32, #tpu.memory_space<vmem>>
      %dma_wait3A_174 = tpu.memref_squeeze %dma_wait3A_173 : memref<1x128x128xf32, #tpu.memory_space<vmem>> -> memref<128x128xf32, #tpu.memory_space<vmem>>
      %dma_wait3A_175 = arith.constant 0 : i32
      %dma_wait3A_176 = tpu.memref_slice %arg5[%dma_wait3A_175] : memref<6400xi32, #tpu.memory_space<vmem>> -> memref<128xi32, #tpu.memory_space<vmem>>
      %dma_wait3A_177 = arith.constant 0 : i32
      %dma_wait3A_178 = arith.constant 0 : i32
      %dma_wait3A_179 = tpu.memref_slice %arg3[%dma_wait3A_177, %dma_wait3A_178] : memref<100000x128xf32, #tpu.memory_space<hbm>> -> memref<100000x128xf32, #tpu.memory_space<hbm>>
      tpu.wait_indirect_dma semaphore(%arg8 : memref<!tpu.dma_semaphore, #tpu.memory_space<semaphore_mem>>) src(%dma_wait3A_179 : memref<100000x128xf32, #tpu.memory_space<hbm>>) dst(%dma_wait3A_174 : memref<128x128xf32, #tpu.memory_space<vmem>>)
      %mul3A_180 = arith.constant 128 : i32
      %mul3A_181 = arith.muli %add3A_169, %mul3A_180 : i32
      %add3A_182 = arith.addi %mul3A_2, %mul3A_181 : i32
      %dma_start3A_183 = arith.constant 1 : i32
      %dma_start3A_184 = arith.constant 0 : i32
      %dma_start3A_185 = arith.constant 0 : i32
      %dma_start3A_186 = tpu.memref_slice %arg6[%dma_start3A_183, %dma_start3A_184, %dma_start3A_185] : memref<2x128x128xf32, #tpu.memory_space<vmem>> -> memref<1x128x128xf32, #tpu.memory_space<vmem>>
      %dma_start3A_187 = tpu.memref_squeeze %dma_start3A_186 : memref<1x128x128xf32, #tpu.memory_space<vmem>> -> memref<128x128xf32, #tpu.memory_space<vmem>>
      %dma_start3A_188 = arith.constant 0 : i32
      %dma_start3A_189 = tpu.memref_slice %arg4[%add3A_182, %dma_start3A_188] : memref<204800x128xf32, #tpu.memory_space<hbm>> -> memref<128x128xf32, #tpu.memory_space<hbm>>
      %dma_start3A_190 = arith.constant 0 : i32
      %dma_start3A_191 = tpu.memref_slice %arg4[%add3A_182, %dma_start3A_190] : memref<204800x128xf32, #tpu.memory_space<hbm>> -> memref<128x128xf32, #tpu.memory_space<hbm>>
      %dma_start3A_192 = arith.constant 0 : i32
      %dma_start3A_193 = arith.constant 0 : i32
      %dma_start3A_194 = tpu.memref_slice %arg6[%dma_start3A_183, %dma_start3A_192, %dma_start3A_193] : memref<2x128x128xf32, #tpu.memory_space<vmem>> -> memref<1x128x128xf32, #tpu.memory_space<vmem>>
      %dma_start3A_195 = tpu.memref_squeeze %dma_start3A_194 : memref<1x128x128xf32, #tpu.memory_space<vmem>> -> memref<128x128xf32, #tpu.memory_space<vmem>>
      tpu.enqueue_dma source(%dma_start3A_195 : memref<128x128xf32, #tpu.memory_space<vmem>>) target(%dma_start3A_191 : memref<128x128xf32, #tpu.memory_space<hbm>>) target_semaphore(%arg10 : memref<!tpu.dma_semaphore, #tpu.memory_space<semaphore_mem>>)
      %mul3A_196 = arith.constant 128 : i32
      %mul3A_197 = arith.muli %add3A_169, %mul3A_196 : i32
      %add3A_198 = arith.addi %mul3A_2, %mul3A_197 : i32
      %dma_wait3A_199 = arith.constant 1 : i32
      %dma_wait3A_200 = arith.constant 0 : i32
      %dma_wait3A_201 = arith.constant 0 : i32
      %dma_wait3A_202 = tpu.memref_slice %arg6[%dma_wait3A_199, %dma_wait3A_200, %dma_wait3A_201] : memref<2x128x128xf32, #tpu.memory_space<vmem>> -> memref<1x128x128xf32, #tpu.memory_space<vmem>>
      %dma_wait3A_203 = tpu.memref_squeeze %dma_wait3A_202 : memref<1x128x128xf32, #tpu.memory_space<vmem>> -> memref<128x128xf32, #tpu.memory_space<vmem>>
      %dma_wait3A_204 = arith.constant 0 : i32
      %dma_wait3A_205 = tpu.memref_slice %arg4[%add3A_198, %dma_wait3A_204] : memref<204800x128xf32, #tpu.memory_space<hbm>> -> memref<128x128xf32, #tpu.memory_space<hbm>>
      %dma_wait3A_206 = arith.constant 0 : i32
      %dma_wait3A_207 = tpu.memref_slice %arg4[%add3A_198, %dma_wait3A_206] : memref<204800x128xf32, #tpu.memory_space<hbm>> -> memref<128x128xf32, #tpu.memory_space<hbm>>
      %dma_wait3A_208 = arith.constant 0 : i32
      %dma_wait3A_209 = arith.constant 0 : i32
      %dma_wait3A_210 = tpu.memref_slice %arg6[%dma_wait3A_199, %dma_wait3A_208, %dma_wait3A_209] : memref<2x128x128xf32, #tpu.memory_space<vmem>> -> memref<1x128x128xf32, #tpu.memory_space<vmem>>
      %dma_wait3A_211 = tpu.memref_squeeze %dma_wait3A_210 : memref<1x128x128xf32, #tpu.memory_space<vmem>> -> memref<128x128xf32, #tpu.memory_space<vmem>>
      tpu.wait_dma2 semaphore(%arg10 : memref<!tpu.dma_semaphore, #tpu.memory_space<semaphore_mem>>) src(%dma_wait3A_211 : memref<128x128xf32, #tpu.memory_space<vmem>>) dst(%dma_wait3A_207 : memref<128x128xf32, #tpu.memory_space<hbm>>)
      %add3A_212 = arith.constant 2 : i32
      %add3A_213 = arith.addi %add3A_169, %add3A_212 : i32
      %mul3A_214 = arith.constant 128 : i32
      %mul3A_215 = arith.muli %add3A_213, %mul3A_214 : i32
      %dma_start3A_216 = arith.constant 1 : i32
      %dma_start3A_217 = arith.constant 0 : i32
      %dma_start3A_218 = arith.constant 0 : i32
      %dma_start3A_219 = tpu.memref_slice %arg6[%dma_start3A_216, %dma_start3A_217, %dma_start3A_218] : memref<2x128x128xf32, #tpu.memory_space<vmem>> -> memref<1x128x128xf32, #tpu.memory_space<vmem>>
      %dma_start3A_220 = tpu.memref_squeeze %dma_start3A_219 : memref<1x128x128xf32, #tpu.memory_space<vmem>> -> memref<128x128xf32, #tpu.memory_space<vmem>>
      %dma_start3A_221 = tpu.memref_slice %arg5[%mul3A_215] : memref<6400xi32, #tpu.memory_space<vmem>> -> memref<128xi32, #tpu.memory_space<vmem>>
      %dma_start3A_222 = arith.constant 0 : i32
      %dma_start3A_223 = arith.constant 0 : i32
      %dma_start3A_224 = tpu.memref_slice %arg3[%dma_start3A_222, %dma_start3A_223] : memref<100000x128xf32, #tpu.memory_space<hbm>> -> memref<100000x128xf32, #tpu.memory_space<hbm>>
      tpu.enqueue_indirect_dma source(%dma_start3A_224 : memref<100000x128xf32, #tpu.memory_space<hbm>>) target(%dma_start3A_220 : memref<128x128xf32, #tpu.memory_space<vmem>>) offsets(%dma_start3A_221 : memref<128xi32, #tpu.memory_space<vmem>>) semaphore(%arg8 : memref<!tpu.dma_semaphore, #tpu.memory_space<semaphore_mem>>)
    }
    %scan3A_26 = arith.constant 24 : i32
    %dma_wait3A = arith.constant 0 : i32
    %dma_wait3A_27 = arith.constant 0 : i32
    %dma_wait3A_28 = arith.constant 0 : i32
    %dma_wait3A_29 = tpu.memref_slice %arg6[%dma_wait3A, %dma_wait3A_27, %dma_wait3A_28] : memref<2x128x128xf32, #tpu.memory_space<vmem>> -> memref<1x128x128xf32, #tpu.memory_space<vmem>>
    %dma_wait3A_30 = tpu.memref_squeeze %dma_wait3A_29 : memref<1x128x128xf32, #tpu.memory_space<vmem>> -> memref<128x128xf32, #tpu.memory_space<vmem>>
    %dma_wait3A_31 = arith.constant 0 : i32
    %dma_wait3A_32 = tpu.memref_slice %arg5[%dma_wait3A_31] : memref<6400xi32, #tpu.memory_space<vmem>> -> memref<128xi32, #tpu.memory_space<vmem>>
    %dma_wait3A_33 = arith.constant 0 : i32
    %dma_wait3A_34 = arith.constant 0 : i32
    %dma_wait3A_35 = tpu.memref_slice %arg3[%dma_wait3A_33, %dma_wait3A_34] : memref<100000x128xf32, #tpu.memory_space<hbm>> -> memref<100000x128xf32, #tpu.memory_space<hbm>>
    tpu.wait_indirect_dma semaphore(%arg7 : memref<!tpu.dma_semaphore, #tpu.memory_space<semaphore_mem>>) src(%dma_wait3A_35 : memref<100000x128xf32, #tpu.memory_space<hbm>>) dst(%dma_wait3A_30 : memref<128x128xf32, #tpu.memory_space<vmem>>)
    %add3A_36 = arith.constant 6144 : i32
    %add3A_37 = arith.addi %mul3A_2, %add3A_36 : i32
    %dma_start3A_38 = arith.constant 0 : i32
    %dma_start3A_39 = arith.constant 0 : i32
    %dma_start3A_40 = arith.constant 0 : i32
    %dma_start3A_41 = tpu.memref_slice %arg6[%dma_start3A_38, %dma_start3A_39, %dma_start3A_40] : memref<2x128x128xf32, #tpu.memory_space<vmem>> -> memref<1x128x128xf32, #tpu.memory_space<vmem>>
    %dma_start3A_42 = tpu.memref_squeeze %dma_start3A_41 : memref<1x128x128xf32, #tpu.memory_space<vmem>> -> memref<128x128xf32, #tpu.memory_space<vmem>>
    %dma_start3A_43 = arith.constant 0 : i32
    %dma_start3A_44 = tpu.memref_slice %arg4[%add3A_37, %dma_start3A_43] : memref<204800x128xf32, #tpu.memory_space<hbm>> -> memref<128x128xf32, #tpu.memory_space<hbm>>
    %dma_start3A_45 = arith.constant 0 : i32
    %dma_start3A_46 = tpu.memref_slice %arg4[%add3A_37, %dma_start3A_45] : memref<204800x128xf32, #tpu.memory_space<hbm>> -> memref<128x128xf32, #tpu.memory_space<hbm>>
    %dma_start3A_47 = arith.constant 0 : i32
    %dma_start3A_48 = arith.constant 0 : i32
    %dma_start3A_49 = tpu.memref_slice %arg6[%dma_start3A_38, %dma_start3A_47, %dma_start3A_48] : memref<2x128x128xf32, #tpu.memory_space<vmem>> -> memref<1x128x128xf32, #tpu.memory_space<vmem>>
    %dma_start3A_50 = tpu.memref_squeeze %dma_start3A_49 : memref<1x128x128xf32, #tpu.memory_space<vmem>> -> memref<128x128xf32, #tpu.memory_space<vmem>>
    tpu.enqueue_dma source(%dma_start3A_50 : memref<128x128xf32, #tpu.memory_space<vmem>>) target(%dma_start3A_46 : memref<128x128xf32, #tpu.memory_space<hbm>>) target_semaphore(%arg9 : memref<!tpu.dma_semaphore, #tpu.memory_space<semaphore_mem>>)
    %dma_wait3A_51 = arith.constant 1 : i32
    %dma_wait3A_52 = arith.constant 0 : i32
    %dma_wait3A_53 = arith.constant 0 : i32
    %dma_wait3A_54 = tpu.memref_slice %arg6[%dma_wait3A_51, %dma_wait3A_52, %dma_wait3A_53] : memref<2x128x128xf32, #tpu.memory_space<vmem>> -> memref<1x128x128xf32, #tpu.memory_space<vmem>>
    %dma_wait3A_55 = tpu.memref_squeeze %dma_wait3A_54 : memref<1x128x128xf32, #tpu.memory_space<vmem>> -> memref<128x128xf32, #tpu.memory_space<vmem>>
    %dma_wait3A_56 = arith.constant 0 : i32
    %dma_wait3A_57 = tpu.memref_slice %arg5[%dma_wait3A_56] : memref<6400xi32, #tpu.memory_space<vmem>> -> memref<128xi32, #tpu.memory_space<vmem>>
    %dma_wait3A_58 = arith.constant 0 : i32
    %dma_wait3A_59 = arith.constant 0 : i32
    %dma_wait3A_60 = tpu.memref_slice %arg3[%dma_wait3A_58, %dma_wait3A_59] : memref<100000x128xf32, #tpu.memory_space<hbm>> -> memref<100000x128xf32, #tpu.memory_space<hbm>>
    tpu.wait_indirect_dma semaphore(%arg8 : memref<!tpu.dma_semaphore, #tpu.memory_space<semaphore_mem>>) src(%dma_wait3A_60 : memref<100000x128xf32, #tpu.memory_space<hbm>>) dst(%dma_wait3A_55 : memref<128x128xf32, #tpu.memory_space<vmem>>)
    %add3A_61 = arith.constant 6272 : i32
    %add3A_62 = arith.addi %mul3A_2, %add3A_61 : i32
    %dma_start3A_63 = arith.constant 1 : i32
    %dma_start3A_64 = arith.constant 0 : i32
    %dma_start3A_65 = arith.constant 0 : i32
    %dma_start3A_66 = tpu.memref_slice %arg6[%dma_start3A_63, %dma_start3A_64, %dma_start3A_65] : memref<2x128x128xf32, #tpu.memory_space<vmem>> -> memref<1x128x128xf32, #tpu.memory_space<vmem>>
    %dma_start3A_67 = tpu.memref_squeeze %dma_start3A_66 : memref<1x128x128xf32, #tpu.memory_space<vmem>> -> memref<128x128xf32, #tpu.memory_space<vmem>>
    %dma_start3A_68 = arith.constant 0 : i32
    %dma_start3A_69 = tpu.memref_slice %arg4[%add3A_62, %dma_start3A_68] : memref<204800x128xf32, #tpu.memory_space<hbm>> -> memref<128x128xf32, #tpu.memory_space<hbm>>
    %dma_start3A_70 = arith.constant 0 : i32
    %dma_start3A_71 = tpu.memref_slice %arg4[%add3A_62, %dma_start3A_70] : memref<204800x128xf32, #tpu.memory_space<hbm>> -> memref<128x128xf32, #tpu.memory_space<hbm>>
    %dma_start3A_72 = arith.constant 0 : i32
    %dma_start3A_73 = arith.constant 0 : i32
    %dma_start3A_74 = tpu.memref_slice %arg6[%dma_start3A_63, %dma_start3A_72, %dma_start3A_73] : memref<2x128x128xf32, #tpu.memory_space<vmem>> -> memref<1x128x128xf32, #tpu.memory_space<vmem>>
    %dma_start3A_75 = tpu.memref_squeeze %dma_start3A_74 : memref<1x128x128xf32, #tpu.memory_space<vmem>> -> memref<128x128xf32, #tpu.memory_space<vmem>>
    tpu.enqueue_dma source(%dma_start3A_75 : memref<128x128xf32, #tpu.memory_space<vmem>>) target(%dma_start3A_71 : memref<128x128xf32, #tpu.memory_space<hbm>>) target_semaphore(%arg10 : memref<!tpu.dma_semaphore, #tpu.memory_space<semaphore_mem>>)
    %add3A_76 = arith.constant 6144 : i32
    %add3A_77 = arith.addi %mul3A_2, %add3A_76 : i32
    %dma_wait3A_78 = arith.constant 0 : i32
    %dma_wait3A_79 = arith.constant 0 : i32
    %dma_wait3A_80 = arith.constant 0 : i32
    %dma_wait3A_81 = tpu.memref_slice %arg6[%dma_wait3A_78, %dma_wait3A_79, %dma_wait3A_80] : memref<2x128x128xf32, #tpu.memory_space<vmem>> -> memref<1x128x128xf32, #tpu.memory_space<vmem>>
    %dma_wait3A_82 = tpu.memref_squeeze %dma_wait3A_81 : memref<1x128x128xf32, #tpu.memory_space<vmem>> -> memref<128x128xf32, #tpu.memory_space<vmem>>
    %dma_wait3A_83 = arith.constant 0 : i32
    %dma_wait3A_84 = tpu.memref_slice %arg4[%add3A_77, %dma_wait3A_83] : memref<204800x128xf32, #tpu.memory_space<hbm>> -> memref<128x128xf32, #tpu.memory_space<hbm>>
    %dma_wait3A_85 = arith.constant 0 : i32
    %dma_wait3A_86 = tpu.memref_slice %arg4[%add3A_77, %dma_wait3A_85] : memref<204800x128xf32, #tpu.memory_space<hbm>> -> memref<128x128xf32, #tpu.memory_space<hbm>>
    %dma_wait3A_87 = arith.constant 0 : i32
    %dma_wait3A_88 = arith.constant 0 : i32
    %dma_wait3A_89 = tpu.memref_slice %arg6[%dma_wait3A_78, %dma_wait3A_87, %dma_wait3A_88] : memref<2x128x128xf32, #tpu.memory_space<vmem>> -> memref<1x128x128xf32, #tpu.memory_space<vmem>>
    %dma_wait3A_90 = tpu.memref_squeeze %dma_wait3A_89 : memref<1x128x128xf32, #tpu.memory_space<vmem>> -> memref<128x128xf32, #tpu.memory_space<vmem>>
    tpu.wait_dma2 semaphore(%arg9 : memref<!tpu.dma_semaphore, #tpu.memory_space<semaphore_mem>>) src(%dma_wait3A_90 : memref<128x128xf32, #tpu.memory_space<vmem>>) dst(%dma_wait3A_86 : memref<128x128xf32, #tpu.memory_space<hbm>>)
    %add3A_91 = arith.constant 6272 : i32
    %add3A_92 = arith.addi %mul3A_2, %add3A_91 : i32
    %dma_wait3A_93 = arith.constant 1 : i32
    %dma_wait3A_94 = arith.constant 0 : i32
    %dma_wait3A_95 = arith.constant 0 : i32
    %dma_wait3A_96 = tpu.memref_slice %arg6[%dma_wait3A_93, %dma_wait3A_94, %dma_wait3A_95] : memref<2x128x128xf32, #tpu.memory_space<vmem>> -> memref<1x128x128xf32, #tpu.memory_space<vmem>>
    %dma_wait3A_97 = tpu.memref_squeeze %dma_wait3A_96 : memref<1x128x128xf32, #tpu.memory_space<vmem>> -> memref<128x128xf32, #tpu.memory_space<vmem>>
    %dma_wait3A_98 = arith.constant 0 : i32
    %dma_wait3A_99 = tpu.memref_slice %arg4[%add3A_92, %dma_wait3A_98] : memref<204800x128xf32, #tpu.memory_space<hbm>> -> memref<128x128xf32, #tpu.memory_space<hbm>>
    %dma_wait3A_100 = arith.constant 0 : i32
    %dma_wait3A_101 = tpu.memref_slice %arg4[%add3A_92, %dma_wait3A_100] : memref<204800x128xf32, #tpu.memory_space<hbm>> -> memref<128x128xf32, #tpu.memory_space<hbm>>
    %dma_wait3A_102 = arith.constant 0 : i32
    %dma_wait3A_103 = arith.constant 0 : i32
    %dma_wait3A_104 = tpu.memref_slice %arg6[%dma_wait3A_93, %dma_wait3A_102, %dma_wait3A_103] : memref<2x128x128xf32, #tpu.memory_space<vmem>> -> memref<1x128x128xf32, #tpu.memory_space<vmem>>
    %dma_wait3A_105 = tpu.memref_squeeze %dma_wait3A_104 : memref<1x128x128xf32, #tpu.memory_space<vmem>> -> memref<128x128xf32, #tpu.memory_space<vmem>>
    tpu.wait_dma2 semaphore(%arg10 : memref<!tpu.dma_semaphore, #tpu.memory_space<semaphore_mem>>) src(%dma_wait3A_105 : memref<128x128xf32, #tpu.memory_space<vmem>>) dst(%dma_wait3A_101 : memref<128x128xf32, #tpu.memory_space<hbm>>)
    return
  }
}

</mosaic_0001>

<sc_bundles>
// kernel: kernel.4.cloned.1.call-start
scs
__scs_entry_jumppad:
0x0: {  	(pc) =	sbr.rel $0x88, $3  }
0x1: {  	(tag) =	ssettag $0x0;
	lr =	simm.s32 $0x1  }
0x2: {  	[smem:$0x3F9F] =	sst lr;
	_ =	strace $0xD0000000  }
0x3: {  	_ = 	snop  }
0x4: {  	_ = 	snop  }
0x5: {  	_ = 	snop  }
0x6: {  	_ = 	snop  }
0x7: {  	_ = 	snop  }
__scs_overlays_trampoline_lowered:
0x8: {  	[smem:$0x3FAE] =	sst s0  }
0x9: {  	[smem:$0x3FAF] =	sst s1  }
0xa: {  	[smem:$0x3FB0] =	sst s2  }
0xb: {  	[smem:$0x3FB1] =	sst s3  }
0xc: {  	[smem:$0x3FB2] =	sst s4  }
0xd: {  	[smem:$0x3FB3] =	sst s5  }
0xe: {  	[smem:$0x3FB4] =	sst s6  }
0xf: {  	[smem:$0x3FB5] =	sst s7  }
0x10: {  	[smem:$0x3FB6] =	sst s8  }
0x11: {  	[smem:$0x3FB7] =	sst s9;
	s0 =	simm.s32 @!p0 $0x0  }
0x12: {  	s1 =	sld [smem:$0x3F9D];
	s0 =	simm.s32 @p0 $0x1  }
0x13: {  	[smem:$0x3FB8] =	sst s0;
	s0 =	simm.s32 @!p1 $0x0  }
0x14: {  	s2 =	sld [smem:$0x3F9C];
	s0 =	simm.s32 @p1 $0x1  }
0x15: {  	[smem:$0x3FB9] =	sst s0;
	s0 =	simm.s32 @!p2 $0x0  }
0x16: {  	s3 =	sld [smem:$0x3FDB];
	s0 =	simm.s32 @p2 $0x1  }
0x17: {  	s4 =	simm.s32 $0x1BF5;
	[smem:$0x3FBB] =	sst s0  }
0x18: {  	s0 =	sld [smem:$0x3F9E];
	_ =	swait.ge [sflag:s4], $0x0  }
0x19: {  	s7 =	sld [smem:$0x3F9F]  }
0x1a: {  	s8 =	sadd.s32 $0xFFFFE003, lr  }
0x1b: {  	s9 =	sadd.s32 $0xFFFFFEF7, lr;
	s5 =	simm.s32 $0xFFFFFFFF;
	p2 =	slt.u32 s8, $0xFFFFF086  }
0x1c: {  	p1 =	slt.u32 s9, $0xF7A;
	s5 =	simm.s32 @!p2 $0x0  }
0x1d: {  	s5 =	simm.s32 @p1 $0x1;
	p0 =	seq.s32 s7, s2  }
0x1e: {  	s7 =	smul.u32 @!p0 $0xF7A, s2;
	p2 =	seq.s32 @!p0 s5, $0x0  }
0x1f: {  	s9 =	smul.u32 $0xF7A, s1;
	s8 =	simm.s32 @!p0 $0x1BF5;
	p2 =	por !p2, p0  }
0x20: {  	[sflag:s8] =	ssyncset.s32 @!p0 $0xFFFFF086;
	s6 =	sadd.s32 @!p0 s3, s7;
	s7 =	simm.s32 @!p0 $0x108  }
0x21: {  	s3 =	sadd.s32 s3, s9;
	s6 =	sadd.s32 @!p0 $0x88, s6;
	s7 =	simm.s32 @p2 $0x1082  }
0x22: {  	[simem:s7], [sflag:s8] =	dma.local @!p0 [hbm:s6], $0xF7A  }
0x23: {  	s9 =	sor.u32 $0xD0000000, s2;
	s6 =	simm.s32 $0x108;
	_ =	swait.ge @!p0 [sflag:s8], $0x0  }
0x24: {  	s3 =	sadd.s32 $0x88, s3;
	s6 =	simm.s32 @!p1 $0x1082;
	[sflag:s4] =	ssyncset.s32 $0xFFFFF086  }
0x25: {  	[simem:s6], [sflag:s4] =	dma.local [hbm:s3], $0xF7A  }
0x26: {  	[smem:$0x3F9F] =	sst s1;
	(tag) =	ssettag s2;
	_ =	strace s9  }
0x27: {  	s1 =	sld [smem:$0x3FAF]  }
0x28: {  	s2 =	sld [smem:$0x3FB0]  }
0x29: {  	s4 =	sld [smem:$0x3FB2]  }
0x2a: {  	p0 =	seq.s32 s5, $0x0;
	s5 =	sld [smem:$0x3FB3]  }
0x2b: {  	s6 =	sld [smem:$0x3FB4]  }
0x2c: {  	s7 =	sld [smem:$0x3FB5]  }
0x2d: {  	s3 =	simm.s32 $0x108;
	s8 =	sld [smem:$0x3FB6]  }
0x2e: {  	s3 =	simm.s32 @!p0 $0x1082;
	s9 =	sld [smem:$0x3FB7]  }
0x2f: {  	lr =	sadd.s32 s0, s3;
	s0 =	sld [smem:$0x3FAE]  }
0x30: {  	s3 =	sld [smem:$0x3FB1]  }
0x31: {  	[smem:$0x3FBA] =	sst s10  }
0x32: {  	s10 =	sld [smem:$0x3FB8];
	_ =	sdelay $0x3  }
0x33: {  	p0 =	seq.s32 s10, $0x1;
	s10 =	sld [smem:$0x3FBA];
	_ =	sdelay $0x3  }
0x34: {  	[smem:$0x3FBA] =	sst s10  }
0x35: {  	s10 =	sld [smem:$0x3FB9];
	_ =	sdelay $0x3  }
0x36: {  	p1 =	seq.s32 s10, $0x1;
	s10 =	sld [smem:$0x3FBA];
	_ =	sdelay $0x3  }
0x37: {  	[smem:$0x3FBA] =	sst s10  }
0x38: {  	s10 =	sld [smem:$0x3FBB]  }
0x39: {  	_ = 	snop;
	(pc) =	sbr.ind lr, $3  }
0x3a: {  	_ = 	snop  }
0x3b: {  	_ = 	snop  }
0x3c: {  	p2 =	seq.s32 s10, $0x1;
	s10 =	sld [smem:$0x3FBA]  }
0x3d: {  	_ =	shalt  }
0x3e: {  	_ =	shalt  }
0x3f: {  	_ =	shalt  }
0x40: {  	_ =	shalt  }
0x41: {  	_ =	shalt  }
0x42: {  	_ =	shalt  }
0x43: {  	_ =	shalt  }
0x44: {  	_ =	shalt  }
0x45: {  	_ =	shalt  }
0x46: {  	_ =	shalt  }
0x47: {  	_ =	shalt  }
0x48: {  	_ =	shalt  }
0x49: {  	_ =	shalt  }
0x4a: {  	_ =	shalt  }
0x4b: {  	_ =	shalt  }
0x4c: {  	_ =	shalt  }
0x4d: {  	_ =	shalt  }
0x4e: {  	_ =	shalt  }
0x4f: {  	_ =	shalt  }
0x50: {  	_ =	shalt  }
0x51: {  	_ =	shalt  }
0x52: {  	_ =	shalt  }
0x53: {  	_ =	shalt  }
0x54: {  	_ =	shalt  }
0x55: {  	_ =	shalt  }
0x56: {  	_ =	shalt  }
0x57: {  	_ =	shalt  }
0x58: {  	_ =	shalt  }
0x59: {  	_ =	shalt  }
0x5a: {  	_ =	shalt  }
0x5b: {  	_ =	shalt  }
0x5c: {  	_ =	shalt  }
0x5d: {  	_ =	shalt  }
0x5e: {  	_ =	shalt  }
0x5f: {  	_ =	shalt  }
0x60: {  	_ =	shalt  }
0x61: {  	_ =	shalt  }
0x62: {  	_ =	shalt  }
0x63: {  	_ =	shalt  }
0x64: {  	_ =	shalt  }
0x65: {  	_ =	shalt  }
0x66: {  	_ =	shalt  }
0x67: {  	_ =	shalt  }
0x68: {  	_ =	shalt  }
0x69: {  	_ =	shalt  }
0x6a: {  	_ =	shalt  }
0x6b: {  	_ =	shalt  }
0x6c: {  	_ =	shalt  }
0x6d: {  	_ =	shalt  }
0x6e: {  	_ =	shalt  }
0x6f: {  	_ =	shalt  }
0x70: {  	_ =	shalt  }
0x71: {  	_ =	shalt  }
0x72: {  	_ =	shalt  }
0x73: {  	_ =	shalt  }
0x74: {  	_ =	shalt  }
0x75: {  	_ =	shalt  }
0x76: {  	_ =	shalt  }
0x77: {  	_ =	shalt  }
0x78: {  	_ =	shalt  }
0x79: {  	_ =	shalt  }
0x7a: {  	_ =	shalt  }
0x7b: {  	_ =	shalt  }
0x7c: {  	_ =	shalt  }
0x7d: {  	_ =	shalt  }
0x7e: {  	_ =	shalt  }
0x7f: {  	_ =	shalt  }
0x80: {  	_ =	shalt  }
0x81: {  	_ =	shalt  }
0x82: {  	_ =	shalt  }
0x83: {  	_ =	shalt  }
0x84: {  	_ =	shalt  }
0x85: {  	_ =	shalt  }
0x86: {  	_ =	shalt  }
0x87: {  	_ =	shalt  }
.Lfunc_end0:
.L_simem_size_0:
called_computation_lowered:
.L_overlay_start_0:
0x88: {  	s2 =	sld [smem:$0x3FD9]  }
0x89: {  	s3 =	sld [smem:$0x3FFE];
	_ =	sdelay $0x1  }
0x8a: {  	s1 =	srdreg.scid  }
0x8b: {  	s0 =	sand.u32 $0x1, s1  }
0x8c: {  	s17 =	sshll.u32 s0, $0xA;
	s2 =	sadd.s32 s3, s2  }
0x8d: {  	s2 =	sadd.s32 s2, s17  }
0x8e: {  	[smem:$0x3FC6] =	sst s2  }
0x8f: {  	_ = 	snop  }
0x90: {  	s2 =	sld [smem:$0x3FD0];
	(tm) =	ssettm $0x1  }
0x91: {  	s18 =	sld [smem:$0x3FFB];
	_ =	sdelay $0x3  }
0x92: {  	_ =	strace s18  }
0x93: {  	s3 =	sld [smem:$0x3FFC];
	_ =	sdelay $0x3  }
0x94: {  	_ =	strace s3  }
0x95: {  	s3 =	sld [smem:$0x3FFD];
	_ =	sdelay $0x3  }
0x96: {  	_ =	strace s3  }
0x97: {  	_ =	strace $0x8FFFFFFF  }
0x98: {  	s19 =	sld [smem:$0x3FDB];
	_ =	sdelay $0x1  }
0x99: {  	s4 =	simm.s32 $_scs_section_size  }
0x9a: {  	s5 =	simm.s32 $_size__tile_overlayer_lowered;
	s6 =	simm.s32 $_tile_overlayer_lowered  }
0x9b: {  	s22 =	simm.s32 $0x1BFF;
	s21 =	sshll.u32 s6, $0x1;
	s3 =	sadd.s32 s4, s19  }
0x9c: {  	s7 =	simm.s32 $0x0;
	s20 =	sshll.u32 s5, $0x1;
	s5 =	sadd.s32 s21, s3  }
0x9d: {  	[timem:s7], [sflag:s22] =	dma.local [hbm:s5], s20  }
0x9e: {  	_ =	swait.ge [sflag:s22], s20  }
0x9f: {  	s4 =	ssub.s32 $0x0, s20;
	[sflag:s22] =	ssyncset.done $0x0  }
0xa0: {  	[sflag:s22] =	ssyncadd.s32 s4;
	_ =	sdelay $0x1  }
0xa1: {  	s23 =	simm.s32 $0x1B8B  }
0xa2: {  	_ =	swait.ge [sflag:s23], $0x1  }
0xa3: {  	[sflag:s23] =	ssyncset.done $0x0  }
0xa4: {  	s25 =	simm.s32 $0x1B8E;
	s24 =	sld [smem:$0x3FFE];
	[sflag:s23] =	ssyncadd.s32 $0xFFFFFFFF  }
0xa5: {  	s26 =	simm.s32 $execute0_lowered;
	[smem:$0x3FD2] =	sst s25  }
0xa6: {  	s5 =	sshll.u32 s26, $0x1;
	_ =	strace $0x80000046;
	[dreg:$0x1] =	wrdreg $0xFFFFFFFF  }
0xa7: {  	s28 =	simm.s32 $_size_execute0_lowered;
	s3 =	sadd.s32 s3, s5;
	[dreg:$0x0] =	wrdreg $0x0  }
0xa8: {  	s5 =	sshll.u32 s28, $0x1;
	[dreg:$0x2] =	wrdreg s3  }
0xa9: {  	[dreg:$0x3] =	wrdreg s5  }
0xaa: {  	[dreg:$0x4] =	wrdreg $0xC0  }
0xab: {  	_ =	task [dreg:s7], $0x5FFFF  }
0xac: {  	[dreg:$0x1] =	wrdreg $0xFFFFFFFF  }
0xad: {  	[dreg:$0x0] =	wrdreg $0x60  }
0xae: {  	[dreg:$0x2] =	wrdreg s24  }
0xaf: {  	[dreg:$0x3] =	wrdreg s2  }
0xb0: {  	[dreg:$0x4] =	wrdreg $0x9  }
0xb1: {  	_ =	task.clear_ibuf [dreg:s7], $0x5FFFF;
	_ =	strace $0x90000046  }
0xb2: {  	s29 =	simm.s32 $0x9;
	_ =	strace $0x80000048  }
0xb3: {  	_ =	swait.ge [sflag:s29], $0x1  }
0xb4: {  	[sflag:s29] =	ssyncadd.s32 $0xFFFFFFFF  }
0xb5: {  	_ =	strace $0x90000048  }
0xb6: {  	_ =	sfence  }
0xb7: {  	s30 =	sld [smem:$0x0];
	_ =	sdelay $0x2  }
0xb8: {  	s31 =	sshll.u32 s1, $0xD;
	s1 =	sshrl.u32 s1, $0x2  }
0xb9: {  	s3 =	sand.u32 $0x4000, s31;
	s1 =	sadd.s32 s1, s30  }
0xba: {  	s0 =	sor.u32 s3, s0;
	s1 =	sshll.u32 s1, $0x11  }
0xbb: {  	s0 =	sor.u32 s1, s0  }
0xbc: {  	s0 =	sadd.s32 $0x8F2B, s0  }
0xbd: {  	[sflag:s0] =	ssyncadd.remote.s32 $0x1  }
0xbe: {  	_ =	sfence.sel $0xFFFF  }
0xbf: {  	[dreg:$0x0] =	wrdreg $0xFFFFFFFF;
	(pc) =	sbr.abs _section_cstart, $3  }
0xc0: {  	[dreg:$0x1] =	wrdreg $0xFFFFFFFF  }
0xc1: {  	_ =	task.clear_ibuf [dreg:s7], $0x2FFFF;
	_ =	strace $0x9FFFFFFF  }
0xc2: {  	(tm) =	ssettm $0x7FFFFFFF  }
0xc3: {  	_ =	shalt  }
tec
execute0_lowered:
.L_overlay_start_1:
0x0: {  	(tag) =	ssettag $0x1  }
0x1: {  	s4 =	rddreg [dreg:$0x0];
	s1 =	srdreg.scid  }
0x2: {  	s0 =	stileid.u32;
	s2 =	rddreg [dreg:$0x1]  }
0x3: {  	s3 =	simm.s32 $0x0;
	s13 =	simm.s32 $0x5900;
	s14 =	simm.s32 $0x1  }
0x4: {  	s15 =	simm.s32 $0x3;
	s16 =	simm.s32 $0x2;
	s17 =	simm.s32 $0x4  }
0x5: {  	s18 =	simm.s32 $0x0;
	s5 =	sand.u32 $0x1, s1;
	s9 =	smul.u32 $0x32000, s0  }
0x6: {  	s6 =	sshll.u32 s0, $0x1;
	s1 =	rddreg [dreg:$0x2];
	s11 =	smul.u32 $0x190000, s0  }
0x7: {  	[smem:$0x7FF] =	sst s3;
	s10 =	sadd.s32 $0x6C00, s4;
	s12 =	smul.u32 $0xC8000, s5  }
0x8: {  	s6 =	sor.u32 s5, s6;
	s8 =	ssub.s32 $0x2, s5;
	s31 =	smul.u32 $0x19000, s5  }
0x9: {  	_ =	strace $0x80000047;
	s7 =	smul.u32 $0x320, s6;
	s30 =	sshrl.u32 s8, $0x1  }
0xa: {  	s6 =	smul.u32 $0xC8000, s6;
	s9 =	sadd.s32 s9, s10;
	s8 =	ssub.s32 s8, s30  }
0xb: {  	s11 =	sadd.s32 s12, s11;
	s9 =	sadd.s32 s31, s9;
	s12 =	simm.s32 $0x1900  }
0xc: {  	s7 =	sadd.s32 s7, s4;
	s6 =	sshrl.u32 s6, $0x3;
	s11 =	sshrl.u32 s11, $0x3  }
0xd: {  	s4 =	sadd.s32 $0x800, s7;
	s6 =	sadd.s32 s10, s6;
	s7 =	smax.u32 s8, $0x1  }
0xe: {  	s8 =	sadd.s32 $0x800, s9;
	s9 =	sadd.s32 s11, s10;
	s10 =	simm.s32 $0x5  }
0xf: {  	s11 =	simm.s32 $0x80;
	s5 =	sadd.s32 $0x18000, s6;
	s6 =	sadd.s32 $0x18800, s6  }
.LBB2_1:
0x10: {  	[tilespmem:s3], [sflag:$0x5] =	stream.linear.gather [hbm4b:s4+s3], $0x1900, $0x38;
	[tilespmem:$0x9900] =	vst v63  }
0x11: {  	_ =	swait.ge [sflag:s10], $0x1900  }
0x12: {  	[sflag:s10] =	ssyncset.done $0x0  }
0x13: {  	[sflag:s10] =	ssyncadd.s32 $0xFFFFE700  }
0x14: {  	[tilespmem:s12], [sflag:$0x1] =	stream.indirect.gather [hbm4b:s2+s11], $0x80, s3, s11, $0xb8;
	[tilespmem:$0x9900] =	vst v63  }
0x15: {  	_ = 	snop  }
0x16: {  	[tilespmem:s13], [sflag:$0x2] =	stream.indirect.gather [hbm4b:s2+s11], $0x80, s11, s11, $0xb8;
	[tilespmem:$0x9900] =	vst v63  }
0x17: {  	_ =	swait.ge [sflag:s14], $0x4000  }
0x18: {  	[sflag:s14] =	ssyncset.done $0x0  }
0x19: {  	s19 =	sadd.s32 $0x0, s9;
	[sflag:s14] =	ssyncadd.s32 $0xFFFFC000  }
0x1a: {  	[hbm4b:s19+s3] =	stream.linear.scatter [tilespmem:s12], [sflag:$0x3], $0x4000, $0x38;
	[tilespmem:$0x9900] =	vst v63  }
0x1b: {  	_ =	swait.ge [sflag:s15], $0x4000  }
0x1c: {  	[sflag:s15] =	ssyncset.done $0x0  }
0x1d: {  	s30 =	simm.s32 $0x100;
	[sflag:s15] =	ssyncadd.s32 $0xFFFFC000  }
0x1e: {  	[tilespmem:s12], [sflag:$0x1] =	stream.indirect.gather [hbm4b:s2+s11], $0x80, s30, s11, $0xb8;
	[tilespmem:$0x9900] =	vst v63  }
0x1f: {  	_ =	swait.ge [sflag:s16], $0x4000  }
0x20: {  	[sflag:s16] =	ssyncset.done $0x0  }
0x21: {  	s31 =	sadd.s32 $0x0, s8;
	[sflag:s16] =	ssyncadd.s32 $0xFFFFC000  }
0x22: {  	[hbm4b:s31+s3] =	stream.linear.scatter [tilespmem:s13], [sflag:$0x4], $0x4000, $0x38;
	[tilespmem:$0x9900] =	vst v63  }
0x23: {  	_ =	swait.ge [sflag:s17], $0x4000  }
0x24: {  	s20 =	simm.s32 $0x1000;
	[sflag:s17] =	ssyncset.done $0x0  }
0x25: {  	s21 =	simm.s32 $0x280;
	s19 =	simm.s32 $0x180;
	[sflag:s17] =	ssyncadd.s32 $0xFFFFC000  }
.LBB2_2:
0x26: {  	[tilespmem:s13], [sflag:$0x2] =	stream.indirect.gather [hbm4b:s2+s11], $0x80, s19, s11, $0xb8;
	[tilespmem:$0x9900] =	vst v63  }
0x27: {  	s22 =	smov.u32 s20;
	s19 =	smov.u32 s21  }
0x28: {  	p0 =	sne.s32 s20, $0x17000;
	s20 =	sadd.s32 $0x1000, s20;
	_ =	swait.ge [sflag:s14], $0x4000  }
0x29: {  	[sflag:s14] =	ssyncset.done $0x0  }
0x2a: {  	s23 =	sadd.s32 s22, s9;
	[sflag:s14] =	ssyncadd.s32 $0xFFFFC000  }
0x2b: {  	[hbm4b:s23+s3] =	stream.linear.scatter [tilespmem:s12], [sflag:$0x3], $0x4000, $0x38;
	[tilespmem:$0x9900] =	vst v63  }
0x2c: {  	_ =	swait.ge [sflag:s15], $0x4000  }
0x2d: {  	[sflag:s15] =	ssyncset.done $0x0  }
0x2e: {  	s23 =	sadd.s32 $0xFFFFFF80, s21;
	[sflag:s15] =	ssyncadd.s32 $0xFFFFC000  }
0x2f: {  	[tilespmem:s12], [sflag:$0x1] =	stream.indirect.gather [hbm4b:s2+s11], $0x80, s23, s11, $0xb8;
	[tilespmem:$0x9900] =	vst v63  }
0x30: {  	_ =	swait.ge [sflag:s16], $0x4000  }
0x31: {  	[sflag:s16] =	ssyncset.done $0x0  }
.Ltmp0:
0x32: {  	s22 =	sadd.s32 s22, s8;
	[sflag:s16] =	ssyncadd.s32 $0xFFFFC000;
	(pc) =	sbr.rel @p0 .LBB2_2-.Ltmp0, $4  }
0x33: {  	[hbm4b:s22+s3] =	stream.linear.scatter [tilespmem:s13], [sflag:$0x4], $0x4000, $0x38;
	[tilespmem:$0x9900] =	vst v63  }
0x34: {  	_ =	swait.ge [sflag:s17], $0x4000  }
0x35: {  	[sflag:s17] =	ssyncset.done $0x0  }
0x36: {  	s21 =	sadd.s32 $0x100, s21;
	[sflag:s17] =	ssyncadd.s32 $0xFFFFC000  }
0x37: {  	[tilespmem:s13], [sflag:$0x2] =	stream.indirect.gather [hbm4b:s2+s11], $0x80, s19, s11, $0xb8;
	[tilespmem:$0x9900] =	vst v63  }
0x38: {  	_ =	swait.ge [sflag:s14], $0x4000  }
0x39: {  	[sflag:s14] =	ssyncset.done $0x0  }
0x3a: {  	[sflag:s14] =	ssyncadd.s32 $0xFFFFC000  }
0x3b: {  	[hbm4b:s5+s3] =	stream.linear.scatter [tilespmem:s12], [sflag:$0x3], $0x4000, $0x38;
	[tilespmem:$0x9900] =	vst v63  }
0x3c: {  	_ =	swait.ge [sflag:s16], $0x4000  }
0x3d: {  	[sflag:s16] =	ssyncset.done $0x0  }
0x3e: {  	s18 =	sadd.s32 $0x1, s18;
	[sflag:s16] =	ssyncadd.s32 $0xFFFFC000  }
0x3f: {  	[hbm4b:s6+s3] =	stream.linear.scatter [tilespmem:s13], [sflag:$0x4], $0x4000, $0x38;
	[tilespmem:$0x9900] =	vst v63  }
0x40: {  	p0 =	sne.s32 s18, s7;
	_ =	swait.ge [sflag:s15], $0x4000  }
.Ltmp1:
0x41: {  	[sflag:s15] =	ssyncset.done $0x0;
	(pc) =	sbr.rel @p0 .LBB2_1-.Ltmp1, $4  }
0x42: {  	[sflag:s15] =	ssyncadd.s32 $0xFFFFC000  }
0x43: {  	_ =	swait.ge [sflag:s17], $0x4000  }
0x44: {  	[sflag:s17] =	ssyncset.done $0x0  }
0x45: {  	[sflag:s17] =	ssyncadd.s32 $0xFFFFC000  }
0x46: {  	_ =	sfence.sel $0x180000  }
0x47: {  	[bflag:$0x0] =	sbarrier.arrive $0xFFFF  }
0x48: {  	p0 =	sne.s32 s0, $0x0;
	_ =	strace $0x90000047  }
0x49: {  	s0 =	sadd.s32 @!p0 $0x100000, s1;
	[bflag:$0x2] =	sbarrier.arrive $0xFFFF  }
0x4a: {  	[sflag:s0] =	ssyncadd.tile.s32 @!p0 $0x1;
	_ =	shalt  }
.Lfunc_end2:
_tile_overlayer_lowered:
.L_overlay_start_2:
0x4b: {  	(tag) =	ssettag $0x2  }
0x4c: {  	s0 =	rddreg [dreg:$0x0];
	s2 =	stileid.u32  }
0x4d: {  	s1 =	rddreg [dreg:$0x1];
	p0 =	sne.s32 s2, $0x0  }
0x4e: {  	s3 =	rddreg [dreg:$0x2];
	[bflag:$0x3] =	sbarrier.arrive $0xFFFF;
	s2 =	simm.s32 @!p0 $0x1C05  }
0x4f: {  	[timem:s3], [sflag:s2] =	dma.local @!p0 [hbm:s0], s1  }
0x50: {  	s0 =	simm.s32 @!p0 $0x5  }
0x51: {  	_ =	swait.ge @!p0 [sflag:s0], s1  }
0x52: {  	s1 =	ssub.s32 @!p0 $0x0, s1;
	[sflag:s0] =	ssyncset.done @!p0 $0x0  }
0x53: {  	[sflag:s0] =	ssyncadd.s32 @!p0 s1  }
0x54: {  	[bflag:$0x3] =	sbarrier.arrive $0xFFFF  }
0x55: {  	_ =	shalt  }

// kernel: kernel.7.cloned.1.call-start
scs
__scs_entry_jumppad:
0x0: {  	(pc) =	sbr.rel $0x88, $3  }
0x1: {  	(tag) =	ssettag $0x0;
	lr =	simm.s32 $0x1  }
0x2: {  	[smem:$0x3F9F] =	sst lr;
	_ =	strace $0xD0000000  }
0x3: {  	_ = 	snop  }
0x4: {  	_ = 	snop  }
0x5: {  	_ = 	snop  }
0x6: {  	_ = 	snop  }
0x7: {  	_ = 	snop  }
__scs_overlays_trampoline_lowered:
0x8: {  	[smem:$0x3FAE] =	sst s0  }
0x9: {  	[smem:$0x3FAF] =	sst s1  }
0xa: {  	[smem:$0x3FB0] =	sst s2  }
0xb: {  	[smem:$0x3FB1] =	sst s3  }
0xc: {  	[smem:$0x3FB2] =	sst s4  }
0xd: {  	[smem:$0x3FB3] =	sst s5  }
0xe: {  	[smem:$0x3FB4] =	sst s6  }
0xf: {  	[smem:$0x3FB5] =	sst s7  }
0x10: {  	[smem:$0x3FB6] =	sst s8  }
0x11: {  	[smem:$0x3FB7] =	sst s9;
	s0 =	simm.s32 @!p0 $0x0  }
0x12: {  	s1 =	sld [smem:$0x3F9D];
	s0 =	simm.s32 @p0 $0x1  }
0x13: {  	[smem:$0x3FB8] =	sst s0;
	s0 =	simm.s32 @!p1 $0x0  }
0x14: {  	s2 =	sld [smem:$0x3F9C];
	s0 =	simm.s32 @p1 $0x1  }
0x15: {  	[smem:$0x3FB9] =	sst s0;
	s0 =	simm.s32 @!p2 $0x0  }
0x16: {  	s3 =	sld [smem:$0x3FDB];
	s0 =	simm.s32 @p2 $0x1  }
0x17: {  	s4 =	simm.s32 $0x1BF5;
	[smem:$0x3FBB] =	sst s0  }
0x18: {  	s0 =	sld [smem:$0x3F9E];
	_ =	swait.ge [sflag:s4], $0x0  }
0x19: {  	s7 =	sld [smem:$0x3F9F]  }
0x1a: {  	s8 =	sadd.s32 $0xFFFFE003, lr  }
0x1b: {  	s9 =	sadd.s32 $0xFFFFFEF7, lr;
	s5 =	simm.s32 $0xFFFFFFFF;
	p2 =	slt.u32 s8, $0xFFFFF086  }
0x1c: {  	p1 =	slt.u32 s9, $0xF7A;
	s5 =	simm.s32 @!p2 $0x0  }
0x1d: {  	s5 =	simm.s32 @p1 $0x1;
	p0 =	seq.s32 s7, s2  }
0x1e: {  	s7 =	smul.u32 @!p0 $0xF7A, s2;
	p2 =	seq.s32 @!p0 s5, $0x0  }
0x1f: {  	s9 =	smul.u32 $0xF7A, s1;
	s8 =	simm.s32 @!p0 $0x1BF5;
	p2 =	por !p2, p0  }
0x20: {  	[sflag:s8] =	ssyncset.s32 @!p0 $0xFFFFF086;
	s6 =	sadd.s32 @!p0 s3, s7;
	s7 =	simm.s32 @!p0 $0x108  }
0x21: {  	s3 =	sadd.s32 s3, s9;
	s6 =	sadd.s32 @!p0 $0x88, s6;
	s7 =	simm.s32 @p2 $0x1082  }
0x22: {  	[simem:s7], [sflag:s8] =	dma.local @!p0 [hbm:s6], $0xF7A  }
0x23: {  	s9 =	sor.u32 $0xD0000000, s2;
	s6 =	simm.s32 $0x108;
	_ =	swait.ge @!p0 [sflag:s8], $0x0  }
0x24: {  	s3 =	sadd.s32 $0x88, s3;
	s6 =	simm.s32 @!p1 $0x1082;
	[sflag:s4] =	ssyncset.s32 $0xFFFFF086  }
0x25: {  	[simem:s6], [sflag:s4] =	dma.local [hbm:s3], $0xF7A  }
0x26: {  	[smem:$0x3F9F] =	sst s1;
	(tag) =	ssettag s2;
	_ =	strace s9  }
0x27: {  	s1 =	sld [smem:$0x3FAF]  }
0x28: {  	s2 =	sld [smem:$0x3FB0]  }
0x29: {  	s4 =	sld [smem:$0x3FB2]  }
0x2a: {  	p0 =	seq.s32 s5, $0x0;
	s5 =	sld [smem:$0x3FB3]  }
0x2b: {  	s6 =	sld [smem:$0x3FB4]  }
0x2c: {  	s7 =	sld [smem:$0x3FB5]  }
0x2d: {  	s3 =	simm.s32 $0x108;
	s8 =	sld [smem:$0x3FB6]  }
0x2e: {  	s3 =	simm.s32 @!p0 $0x1082;
	s9 =	sld [smem:$0x3FB7]  }
0x2f: {  	lr =	sadd.s32 s0, s3;
	s0 =	sld [smem:$0x3FAE]  }
0x30: {  	s3 =	sld [smem:$0x3FB1]  }
0x31: {  	[smem:$0x3FBA] =	sst s10  }
0x32: {  	s10 =	sld [smem:$0x3FB8];
	_ =	sdelay $0x3  }
0x33: {  	p0 =	seq.s32 s10, $0x1;
	s10 =	sld [smem:$0x3FBA];
	_ =	sdelay $0x3  }
0x34: {  	[smem:$0x3FBA] =	sst s10  }
0x35: {  	s10 =	sld [smem:$0x3FB9];
	_ =	sdelay $0x3  }
0x36: {  	p1 =	seq.s32 s10, $0x1;
	s10 =	sld [smem:$0x3FBA];
	_ =	sdelay $0x3  }
0x37: {  	[smem:$0x3FBA] =	sst s10  }
0x38: {  	s10 =	sld [smem:$0x3FBB]  }
0x39: {  	_ = 	snop;
	(pc) =	sbr.ind lr, $3  }
0x3a: {  	_ = 	snop  }
0x3b: {  	_ = 	snop  }
0x3c: {  	p2 =	seq.s32 s10, $0x1;
	s10 =	sld [smem:$0x3FBA]  }
0x3d: {  	_ =	shalt  }
0x3e: {  	_ =	shalt  }
0x3f: {  	_ =	shalt  }
0x40: {  	_ =	shalt  }
0x41: {  	_ =	shalt  }
0x42: {  	_ =	shalt  }
0x43: {  	_ =	shalt  }
0x44: {  	_ =	shalt  }
0x45: {  	_ =	shalt  }
0x46: {  	_ =	shalt  }
0x47: {  	_ =	shalt  }
0x48: {  	_ =	shalt  }
0x49: {  	_ =	shalt  }
0x4a: {  	_ =	shalt  }
0x4b: {  	_ =	shalt  }
0x4c: {  	_ =	shalt  }
0x4d: {  	_ =	shalt  }
0x4e: {  	_ =	shalt  }
0x4f: {  	_ =	shalt  }
0x50: {  	_ =	shalt  }
0x51: {  	_ =	shalt  }
0x52: {  	_ =	shalt  }
0x53: {  	_ =	shalt  }
0x54: {  	_ =	shalt  }
0x55: {  	_ =	shalt  }
0x56: {  	_ =	shalt  }
0x57: {  	_ =	shalt  }
0x58: {  	_ =	shalt  }
0x59: {  	_ =	shalt  }
0x5a: {  	_ =	shalt  }
0x5b: {  	_ =	shalt  }
0x5c: {  	_ =	shalt  }
0x5d: {  	_ =	shalt  }
0x5e: {  	_ =	shalt  }
0x5f: {  	_ =	shalt  }
0x60: {  	_ =	shalt  }
0x61: {  	_ =	shalt  }
0x62: {  	_ =	shalt  }
0x63: {  	_ =	shalt  }
0x64: {  	_ =	shalt  }
0x65: {  	_ =	shalt  }
0x66: {  	_ =	shalt  }
0x67: {  	_ =	shalt  }
0x68: {  	_ =	shalt  }
0x69: {  	_ =	shalt  }
0x6a: {  	_ =	shalt  }
0x6b: {  	_ =	shalt  }
0x6c: {  	_ =	shalt  }
0x6d: {  	_ =	shalt  }
0x6e: {  	_ =	shalt  }
0x6f: {  	_ =	shalt  }
0x70: {  	_ =	shalt  }
0x71: {  	_ =	shalt  }
0x72: {  	_ =	shalt  }
0x73: {  	_ =	shalt  }
0x74: {  	_ =	shalt  }
0x75: {  	_ =	shalt  }
0x76: {  	_ =	shalt  }
0x77: {  	_ =	shalt  }
0x78: {  	_ =	shalt  }
0x79: {  	_ =	shalt  }
0x7a: {  	_ =	shalt  }
0x7b: {  	_ =	shalt  }
0x7c: {  	_ =	shalt  }
0x7d: {  	_ =	shalt  }
0x7e: {  	_ =	shalt  }
0x7f: {  	_ =	shalt  }
0x80: {  	_ =	shalt  }
0x81: {  	_ =	shalt  }
0x82: {  	_ =	shalt  }
0x83: {  	_ =	shalt  }
0x84: {  	_ =	shalt  }
0x85: {  	_ =	shalt  }
0x86: {  	_ =	shalt  }
0x87: {  	_ =	shalt  }
.Lfunc_end0:
.L_simem_size_0:
called_computation.1_lowered:
.L_overlay_start_0:
0x88: {  	s2 =	sld [smem:$0x3FD9]  }
0x89: {  	s3 =	sld [smem:$0x3FFE];
	_ =	sdelay $0x1  }
0x8a: {  	s1 =	srdreg.scid  }
0x8b: {  	s0 =	sand.u32 $0x1, s1  }
0x8c: {  	s17 =	sshll.u32 s0, $0xA;
	s2 =	sadd.s32 s3, s2  }
0x8d: {  	s2 =	sadd.s32 s2, s17  }
0x8e: {  	[smem:$0x3FC6] =	sst s2  }
0x8f: {  	_ = 	snop  }
0x90: {  	(tm) =	ssettm $0x1  }
0x91: {  	s18 =	sld [smem:$0x3FFB];
	_ =	sdelay $0x3  }
0x92: {  	_ =	strace s18  }
0x93: {  	s2 =	sld [smem:$0x3FFC];
	_ =	sdelay $0x3  }
0x94: {  	_ =	strace s2  }
0x95: {  	s2 =	sld [smem:$0x3FFD];
	_ =	sdelay $0x3  }
0x96: {  	_ =	strace s2  }
0x97: {  	_ =	strace $0x8FFFFFFF  }
0x98: {  	s19 =	sld [smem:$0x3FDB];
	_ =	sdelay $0x1  }
0x99: {  	s20 =	simm.s32 $_scs_section_size  }
0x9a: {  	s4 =	simm.s32 $_size__tile_overlayer_lowered;
	s5 =	simm.s32 $_tile_overlayer_lowered  }
0x9b: {  	s6 =	simm.s32 $0x1BFF;
	s21 =	sshll.u32 s5, $0x1;
	s3 =	sadd.s32 s20, s19  }
0x9c: {  	s22 =	simm.s32 $0x0;
	s4 =	sshll.u32 s4, $0x1;
	s5 =	sadd.s32 s21, s3  }
0x9d: {  	[timem:s22], [sflag:s6] =	dma.local [hbm:s5], s4  }
0x9e: {  	_ =	swait.ge [sflag:s6], s4  }
0x9f: {  	s4 =	ssub.s32 $0x0, s4;
	[sflag:s6] =	ssyncset.done $0x0  }
0xa0: {  	[sflag:s6] =	ssyncadd.s32 s4;
	_ =	sdelay $0x1  }
0xa1: {  	s23 =	simm.s32 $0x1B8B  }
0xa2: {  	_ =	swait.ge [sflag:s23], $0x1  }
0xa3: {  	[sflag:s23] =	ssyncset.done $0x0  }
0xa4: {  	[sflag:s23] =	ssyncadd.s32 $0xFFFFFFFF  }
0xa5: {  	s4 =	sld [smem:$0x0]  }
0xa6: {  	s5 =	sand.u32 $0xFFFFFFFE, s1  }
0xa7: {  	p0 =	sne.s32 s1, s5  }
0xa8: {  	s5 =	sshll.u32 @p0 s5, $0xE  }
0xa9: {  	s5 =	sadd.s32 @p0 $0x11B8D, s5;
	s6 =	sshll.u32 @p0 s4, $0x11  }
0xaa: {  	s5 =	sor.u32 @p0 s6, s5  }
0xab: {  	[sflag:s5] =	ssyncadd.remote.s32 @p0 $0x1;
	_ =	sdelay $0x1  }
0xac: {  	s5 =	simm.s32 @p0 $0x1B8D  }
0xad: {  	_ =	swait.eq @p0 [sflag:s5], $0x1  }
0xae: {  	[sflag:s5] =	ssyncadd.s32 @p0 $0xFFFFFFFF  }
0xaf: {  	s6 =	sshll.u32 @!p0 s1, $0xE  }
0xb0: {  	s6 =	sor.u32 @!p0 $0x4000, s6;
	s5 =	simm.s32 @!p0 $0x1B8D  }
0xb1: {  	s4 =	sshll.u32 @!p0 s4, $0x11;
	s6 =	sadd.s32 @!p0 $0x11B8D, s6;
	_ =	swait.eq @!p0 [sflag:s5], $0x1  }
0xb2: {  	s4 =	sor.u32 @!p0 s4, s6;
	[sflag:s5] =	ssyncadd.s32 @!p0 $0xFFFFFFFF  }
0xb3: {  	s25 =	simm.s32 $0x1B8E;
	s24 =	sld [smem:$0x3FFE];
	[sflag:s4] =	ssyncadd.remote.s32 @!p0 $0x1  }
0xb4: {  	s26 =	simm.s32 $execute0_lowered;
	[smem:$0x3FD2] =	sst s25  }
0xb5: {  	s5 =	sshll.u32 s26, $0x1;
	_ =	strace $0x80000049;
	[dreg:$0x1] =	wrdreg $0xFFFFFFFF  }
0xb6: {  	s28 =	simm.s32 $_size_execute0_lowered;
	s3 =	sadd.s32 s3, s5;
	[dreg:$0x0] =	wrdreg $0x0  }
0xb7: {  	s5 =	sshll.u32 s28, $0x1;
	[dreg:$0x2] =	wrdreg s3  }
0xb8: {  	[dreg:$0x3] =	wrdreg s5  }
0xb9: {  	[dreg:$0x4] =	wrdreg $0xC0  }
0xba: {  	_ =	task [dreg:s22], $0x5FFFF  }
0xbb: {  	[dreg:$0x1] =	wrdreg $0xFFFFFFFF  }
0xbc: {  	[dreg:$0x0] =	wrdreg $0x60  }
0xbd: {  	[dreg:$0x2] =	wrdreg s24  }
0xbe: {  	[dreg:$0x3] =	wrdreg $0xA  }
0xbf: {  	_ =	task.clear_ibuf [dreg:s22], $0x4FFFF;
	_ =	strace $0x90000049  }
0xc0: {  	s29 =	simm.s32 $0xA;
	_ =	strace $0x8000004B  }
0xc1: {  	_ =	swait.ge [sflag:s29], $0x1  }
0xc2: {  	[sflag:s29] =	ssyncadd.s32 $0xFFFFFFFF  }
0xc3: {  	_ =	strace $0x9000004B  }
0xc4: {  	_ =	sfence  }
0xc5: {  	s30 =	sld [smem:$0x0];
	_ =	sdelay $0x2  }
0xc6: {  	s31 =	sshll.u32 s1, $0xD;
	s1 =	sshrl.u32 s1, $0x2  }
0xc7: {  	s4 =	sand.u32 $0x4000, s31;
	s1 =	sadd.s32 s1, s30  }
0xc8: {  	s0 =	sor.u32 s4, s0;
	s1 =	sshll.u32 s1, $0x11  }
0xc9: {  	s0 =	sor.u32 s1, s0  }
0xca: {  	s0 =	sadd.s32 $0x8F2B, s0  }
0xcb: {  	[sflag:s0] =	ssyncadd.remote.s32 $0x1  }
0xcc: {  	_ =	sfence.sel $0xFFFF  }
0xcd: {  	[dreg:$0x0] =	wrdreg $0xFFFFFFFF;
	(pc) =	sbr.abs _section_cstart, $3  }
0xce: {  	[dreg:$0x1] =	wrdreg $0xFFFFFFFF  }
0xcf: {  	_ =	task.clear_ibuf [dreg:s22], $0x2FFFF;
	_ =	strace $0x9FFFFFFF  }
0xd0: {  	(tm) =	ssettm $0x7FFFFFFF  }
0xd1: {  	_ =	shalt  }
tec
execute0_lowered:
.L_overlay_start_1:
0x0: {  	(tag) =	ssettag $0x1  }
0x1: {  	s1 =	srdreg.scid  }
0x2: {  	s0 =	stileid.u32;
	s4 =	rddreg [dreg:$0x0];
	s2 =	simm.s32 $0x0  }
0x3: {  	s13 =	simm.s32 $0x5900;
	s14 =	simm.s32 $0x1;
	s15 =	simm.s32 $0x3  }
0x4: {  	s16 =	simm.s32 $0x2;
	s17 =	simm.s32 $0x4;
	s9 =	smul.u32 $0x32000, s0  }
0x5: {  	s18 =	simm.s32 $0x0;
	s5 =	sand.u32 $0x1, s1;
	s11 =	smul.u32 $0x190000, s0  }
0x6: {  	s28 =	sshll.u32 s0, $0x1;
	s1 =	rddreg [dreg:$0x1];
	s12 =	smul.u32 $0xC8000, s5  }
0x7: {  	[smem:$0x7FF] =	sst s2;
	s3 =	sor.u32 s5, s28;
	s31 =	smul.u32 $0x19000, s5  }
0x8: {  	s10 =	sadd.s32 $0x4AD600, s4;
	s8 =	ssub.s32 $0x2, s5;
	s6 =	smul.u32 $0x320, s3  }
0x9: {  	_ =	strace $0x8000004A;
	s7 =	smul.u32 $0xC8000, s3;
	s29 =	sshrl.u32 s8, $0x1  }
0xa: {  	s3 =	sadd.s32 $0x326C00, s4;
	s9 =	sadd.s32 s9, s10;
	s8 =	ssub.s32 s8, s29  }
0xb: {  	s11 =	sadd.s32 s12, s11;
	s9 =	sadd.s32 s31, s9;
	s12 =	simm.s32 $0x1900  }
0xc: {  	s6 =	sadd.s32 s6, s4;
	s7 =	sshrl.u32 s7, $0x3;
	s11 =	sshrl.u32 s11, $0x3  }
0xd: {  	s4 =	sadd.s32 $0x800, s6;
	s30 =	sadd.s32 s10, s7;
	s7 =	smax.u32 s8, $0x1  }
0xe: {  	s8 =	sadd.s32 $0x800, s9;
	s9 =	sadd.s32 s11, s10;
	s10 =	simm.s32 $0x5  }
0xf: {  	s11 =	simm.s32 $0x80;
	s5 =	sadd.s32 $0x18000, s30;
	s6 =	sadd.s32 $0x18800, s30  }
.LBB2_1:
0x10: {  	[tilespmem:s2], [sflag:$0x5] =	stream.linear.gather [hbm4b:s4+s2], $0x1900, $0x38;
	[tilespmem:$0x9900] =	vst v63  }
0x11: {  	_ =	swait.ge [sflag:s10], $0x1900  }
0x12: {  	[sflag:s10] =	ssyncset.done $0x0  }
0x13: {  	[sflag:s10] =	ssyncadd.s32 $0xFFFFE700  }
0x14: {  	[tilespmem:s12], [sflag:$0x1] =	stream.indirect.gather [hbm4b:s3+s11], $0x80, s2, s11, $0xb8;
	[tilespmem:$0x9900] =	vst v63  }
0x15: {  	_ = 	snop  }
0x16: {  	[tilespmem:s13], [sflag:$0x2] =	stream.indirect.gather [hbm4b:s3+s11], $0x80, s11, s11, $0xb8;
	[tilespmem:$0x9900] =	vst v63  }
0x17: {  	_ =	swait.ge [sflag:s14], $0x4000  }
0x18: {  	[sflag:s14] =	ssyncset.done $0x0  }
0x19: {  	s19 =	sadd.s32 $0x0, s9;
	[sflag:s14] =	ssyncadd.s32 $0xFFFFC000  }
0x1a: {  	[hbm4b:s19+s2] =	stream.linear.scatter [tilespmem:s12], [sflag:$0x3], $0x4000, $0x38;
	[tilespmem:$0x9900] =	vst v63  }
0x1b: {  	_ =	swait.ge [sflag:s15], $0x4000  }
0x1c: {  	[sflag:s15] =	ssyncset.done $0x0  }
0x1d: {  	s30 =	simm.s32 $0x100;
	[sflag:s15] =	ssyncadd.s32 $0xFFFFC000  }
0x1e: {  	[tilespmem:s12], [sflag:$0x1] =	stream.indirect.gather [hbm4b:s3+s11], $0x80, s30, s11, $0xb8;
	[tilespmem:$0x9900] =	vst v63  }
0x1f: {  	_ =	swait.ge [sflag:s16], $0x4000  }
0x20: {  	[sflag:s16] =	ssyncset.done $0x0  }
0x21: {  	s31 =	sadd.s32 $0x0, s8;
	[sflag:s16] =	ssyncadd.s32 $0xFFFFC000  }
0x22: {  	[hbm4b:s31+s2] =	stream.linear.scatter [tilespmem:s13], [sflag:$0x4], $0x4000, $0x38;
	[tilespmem:$0x9900] =	vst v63  }
0x23: {  	_ =	swait.ge [sflag:s17], $0x4000  }
0x24: {  	s20 =	simm.s32 $0x1000;
	[sflag:s17] =	ssyncset.done $0x0  }
0x25: {  	s21 =	simm.s32 $0x280;
	s19 =	simm.s32 $0x180;
	[sflag:s17] =	ssyncadd.s32 $0xFFFFC000  }
.LBB2_2:
0x26: {  	[tilespmem:s13], [sflag:$0x2] =	stream.indirect.gather [hbm4b:s3+s11], $0x80, s19, s11, $0xb8;
	[tilespmem:$0x9900] =	vst v63  }
0x27: {  	s22 =	smov.u32 s20;
	s19 =	smov.u32 s21  }
0x28: {  	p0 =	sne.s32 s20, $0x17000;
	s20 =	sadd.s32 $0x1000, s20;
	_ =	swait.ge [sflag:s14], $0x4000  }
0x29: {  	[sflag:s14] =	ssyncset.done $0x0  }
0x2a: {  	s23 =	sadd.s32 s22, s9;
	[sflag:s14] =	ssyncadd.s32 $0xFFFFC000  }
0x2b: {  	[hbm4b:s23+s2] =	stream.linear.scatter [tilespmem:s12], [sflag:$0x3], $0x4000, $0x38;
	[tilespmem:$0x9900] =	vst v63  }
0x2c: {  	_ =	swait.ge [sflag:s15], $0x4000  }
0x2d: {  	[sflag:s15] =	ssyncset.done $0x0  }
0x2e: {  	s23 =	sadd.s32 $0xFFFFFF80, s21;
	[sflag:s15] =	ssyncadd.s32 $0xFFFFC000  }
0x2f: {  	[tilespmem:s12], [sflag:$0x1] =	stream.indirect.gather [hbm4b:s3+s11], $0x80, s23, s11, $0xb8;
	[tilespmem:$0x9900] =	vst v63  }
0x30: {  	_ =	swait.ge [sflag:s16], $0x4000  }
0x31: {  	[sflag:s16] =	ssyncset.done $0x0  }
.Ltmp0:
0x32: {  	s22 =	sadd.s32 s22, s8;
	[sflag:s16] =	ssyncadd.s32 $0xFFFFC000;
	(pc) =	sbr.rel @p0 .LBB2_2-.Ltmp0, $4  }
0x33: {  	[hbm4b:s22+s2] =	stream.linear.scatter [tilespmem:s13], [sflag:$0x4], $0x4000, $0x38;
	[tilespmem:$0x9900] =	vst v63  }
0x34: {  	_ =	swait.ge [sflag:s17], $0x4000  }
0x35: {  	[sflag:s17] =	ssyncset.done $0x0  }
0x36: {  	s21 =	sadd.s32 $0x100, s21;
	[sflag:s17] =	ssyncadd.s32 $0xFFFFC000  }
0x37: {  	[tilespmem:s13], [sflag:$0x2] =	stream.indirect.gather [hbm4b:s3+s11], $0x80, s19, s11, $0xb8;
	[tilespmem:$0x9900] =	vst v63  }
0x38: {  	_ =	swait.ge [sflag:s14], $0x4000  }
0x39: {  	[sflag:s14] =	ssyncset.done $0x0  }
0x3a: {  	[sflag:s14] =	ssyncadd.s32 $0xFFFFC000  }
0x3b: {  	[hbm4b:s5+s2] =	stream.linear.scatter [tilespmem:s12], [sflag:$0x3], $0x4000, $0x38;
	[tilespmem:$0x9900] =	vst v63  }
0x3c: {  	_ =	swait.ge [sflag:s16], $0x4000  }
0x3d: {  	[sflag:s16] =	ssyncset.done $0x0  }
0x3e: {  	s18 =	sadd.s32 $0x1, s18;
	[sflag:s16] =	ssyncadd.s32 $0xFFFFC000  }
0x3f: {  	[hbm4b:s6+s2] =	stream.linear.scatter [tilespmem:s13], [sflag:$0x4], $0x4000, $0x38;
	[tilespmem:$0x9900] =	vst v63  }
0x40: {  	p0 =	sne.s32 s18, s7;
	_ =	swait.ge [sflag:s15], $0x4000  }
.Ltmp1:
0x41: {  	[sflag:s15] =	ssyncset.done $0x0;
	(pc) =	sbr.rel @p0 .LBB2_1-.Ltmp1, $4  }
0x42: {  	[sflag:s15] =	ssyncadd.s32 $0xFFFFC000  }
0x43: {  	_ =	swait.ge [sflag:s17], $0x4000  }
0x44: {  	[sflag:s17] =	ssyncset.done $0x0  }
0x45: {  	[sflag:s17] =	ssyncadd.s32 $0xFFFFC000  }
0x46: {  	_ =	sfence.sel $0x180000  }
0x47: {  	[bflag:$0x0] =	sbarrier.arrive $0xFFFF  }
0x48: {  	p0 =	sne.s32 s0, $0x0;
	_ =	strace $0x9000004A  }
0x49: {  	s0 =	sadd.s32 @!p0 $0x100000, s1;
	[bflag:$0x2] =	sbarrier.arrive $0xFFFF  }
0x4a: {  	[sflag:s0] =	ssyncadd.tile.s32 @!p0 $0x1;
	_ =	shalt  }
.Lfunc_end2:
_tile_overlayer_lowered:
.L_overlay_start_2:
0x4b: {  	(tag) =	ssettag $0x2  }
0x4c: {  	s0 =	rddreg [dreg:$0x0];
	s2 =	stileid.u32  }
0x4d: {  	s1 =	rddreg [dreg:$0x1];
	p0 =	sne.s32 s2, $0x0  }
0x4e: {  	s3 =	rddreg [dreg:$0x2];
	[bflag:$0x3] =	sbarrier.arrive $0xFFFF;
	s2 =	simm.s32 @!p0 $0x1C05  }
0x4f: {  	[timem:s3], [sflag:s2] =	dma.local @!p0 [hbm:s0], s1  }
0x50: {  	s0 =	simm.s32 @!p0 $0x5  }
0x51: {  	_ =	swait.ge @!p0 [sflag:s0], s1  }
0x52: {  	s1 =	ssub.s32 @!p0 $0x0, s1;
	[sflag:s0] =	ssyncset.done @!p0 $0x0  }
0x53: {  	[sflag:s0] =	ssyncadd.s32 @!p0 s1  }
0x54: {  	[bflag:$0x3] =	sbarrier.arrive $0xFFFF  }
0x55: {  	_ =	shalt  }

</sc_bundles>
